<compile_context>
chip_gen: v7x
topology: tpu7x:2x2x1
jax: 0.10.2.dev20260603
libtpu: 0.0.44.dev20260713+nightly
codegen_flags: <defaults>
</compile_context>

<pallas_src>
import functools

import jax
import jax.numpy as jnp
from jax import lax
from jax.experimental import pallas as pl
from jax.experimental.pallas import tpu as pltpu
from jax.experimental.pallas import tpu_sc as plsc

_BN_EPS = 1e-5


def _sc_aggregate(x, edge_index, *, NC, NS, C, K, RPT):
    _, D = x.shape
    Npad = RPT * NS
    EPW = C * K
    E = edge_index.shape[1]
    L = 16
    assert K % L == 0
    WS = (EPW + 2 * 128 - 1) // 128 * 128
    mesh = plsc.VectorSubcoreMesh(core_axis_name="c", subcore_axis_name="s")

    @functools.partial(
        pl.kernel,
        out_type=jax.ShapeDtypeStruct((NC, Npad, D), jnp.float32),
        mesh=mesh,
        scratch_types=[
            pltpu.VMEM((2, WS), jnp.int32),
            pltpu.VMEM((K,), jnp.int32),
            pltpu.VMEM((K,), jnp.int32),
            pltpu.VMEM((K,), jnp.int32),
            pltpu.VMEM((K,), jnp.int32),
            pltpu.VMEM((K, D), jnp.float32),
            pltpu.VMEM((K, D), jnp.float32),
            pltpu.VMEM_SHARED((Npad, D), jnp.float32),
            pltpu.SemaphoreType.DMA,
            pltpu.SemaphoreType.DMA,
        ],
    )
    def agg(x_hbm, ei_hbm, out_hbm,
            win_v, sb0, sb1, db0, db1, rows0, rows1, accum_sh, gsem0, gsem1):
        cid = lax.axis_index("c")
        sid = lax.axis_index("s")
        wid = sid * NC + cid

        begin = wid * EPW
        start = jnp.minimum(begin - begin % 128, E - WS)
        start = pl.multiple_of(start, 128)
        sh = pl.multiple_of(begin - start, L)

        def untangle(row, j, buf):
            for i in range(K // L):
                buf[pl.ds(i * L, L)] = win_v[row,
                                             pl.ds(sh + j * K + i * L, L)]

        def gather(j, rows, sb, gsem):
            untangle(0, j, sb)
            return pltpu.async_copy(x_hbm.at[sb], rows, gsem)

        def gather_wait(rows, gsem):
            pltpu.make_async_copy(x_hbm.at[sb0], rows, gsem).wait()

        def scat(j, rows, db):
            untangle(1, j, db)
            pltpu.sync_copy(rows, accum_sh.at[db], add=True)

        pltpu.sync_copy(ei_hbm.at[:, pl.ds(start, WS)], win_v)
        gather(0, rows0, sb0, gsem0)

        zv = jnp.zeros((16,), jnp.float32)

        def zrow(r, _):
            for c in range(D // 16):
                rows1[r, pl.ds(c * 16, 16)] = zv
            return _

        lax.fori_loop(0, K, zrow, 0, unroll=False)
        full, rem = RPT // K, RPT % K
        for t in range(full):
            pltpu.async_copy(rows1,
                             accum_sh.at[pl.ds(sid * RPT + t * K, K)], gsem1)
        if rem:
            pltpu.async_copy(rows1.at[pl.ds(0, rem)],
                             accum_sh.at[pl.ds(sid * RPT + full * K, rem)],
                             gsem1)
        for t in range(full):
            pltpu.make_async_copy(
                rows1, accum_sh.at[pl.ds(sid * RPT + t * K, K)], gsem1).wait()
        if rem:
            pltpu.make_async_copy(
                rows1.at[pl.ds(0, rem)],
                accum_sh.at[pl.ds(sid * RPT + full * K, rem)], gsem1).wait()
        gather(1, rows1, sb1, gsem1)
        plsc.subcore_barrier()

        def body(i, _):
            a = 2 * i
            gather_wait(rows0, gsem0)
            scat(a, rows0, db0)

            @pl.when(a + 2 < C)
            def _g0():
                gather(a + 2, rows0, sb0, gsem0)

            gather_wait(rows1, gsem1)
            scat(a + 1, rows1, db1)

            @pl.when(a + 3 < C)
            def _g1():
                gather(a + 3, rows1, sb1, gsem1)

            return _

        lax.fori_loop(0, C // 2, body, 0, unroll=False)
        if C % 2:
            gather_wait(rows0, gsem0)
            scat(C - 1, rows0, db0)
        plsc.subcore_barrier()

        pltpu.sync_copy(accum_sh.at[pl.ds(sid * RPT, RPT)],
                        out_hbm.at[cid, pl.ds(sid * RPT, RPT)])

    return agg(x, edge_index)


def _tc_mlp_body(eps_ref, x_ref, p_ref, w1_ref, b1_ref, g1_ref,
                 be1_ref, w2_ref, b2_ref, g2_ref, be2_ref, o_ref):
    n = x_ref.shape[0]
    h = (1.0 + eps_ref[0]) * x_ref[...] + (p_ref[0, :n] + p_ref[1, :n])
    h1 = jnp.dot(h, w1_ref[...], preferred_element_type=jnp.float32)
    h1 = h1 + b1_ref[...]
    m1 = jnp.mean(h1, axis=0, keepdims=True)
    v1 = jnp.mean((h1 - m1) ** 2, axis=0, keepdims=True)
    h1 = g1_ref[...] * (h1 - m1) * lax.rsqrt(v1 + _BN_EPS) + be1_ref[...]
    h1 = jnp.maximum(h1, 0.0)
    h2 = jnp.dot(h1, w2_ref[...], preferred_element_type=jnp.float32)
    h2 = h2 + b2_ref[...]
    m2 = jnp.mean(h2, axis=0, keepdims=True)
    v2 = jnp.mean((h2 - m2) ** 2, axis=0, keepdims=True)
    h2 = g2_ref[...] * (h2 - m2) * lax.rsqrt(v2 + _BN_EPS) + be2_ref[...]
    o_ref[...] = jnp.maximum(h2, 0.0)


def _tc_mlp(x, partials, W1t, b1, g1, be1, W2t, b2, g2, be2, eps):
    N, D = x.shape
    row = lambda a: a.reshape(1, D)
    return pl.pallas_call(
        _tc_mlp_body,
        out_shape=jax.ShapeDtypeStruct((N, D), jnp.float32),
        in_specs=[pl.BlockSpec(memory_space=pltpu.SMEM)]
        + [pl.BlockSpec(memory_space=pltpu.VMEM)] * 10,
    )(eps.reshape(1), x, partials, W1t, row(b1), row(g1), row(be1),
      W2t, row(b2), row(g2), row(be2))


def kernel(x, edge_index, batch, W1, b1, g1, be1, W2, b2, g2, be2, eps):
    N, D = x.shape
    E = edge_index.shape[1]
    info = plsc.get_sparse_core_info()
    NC, NS = info.num_cores, info.num_subcores
    NW = NC * NS
    EPW = E // NW
    assert E % NW == 0
    K = next(k for k in range(128, 0, -8) if EPW % k == 0)
    C = EPW // K
    assert C >= 2
    RPT = (((N + NS - 1) // NS) + 7) // 8 * 8
    Npad = RPT * NS

    partials = _sc_aggregate(x, edge_index,
                             NC=NC, NS=NS, C=C, K=K, RPT=RPT)
    return _tc_mlp(x, partials, W1.T, b1, g1, be1,
                   W2.T, b2, g2, be2, eps)

# --- scband reference (transcript-rebuilt; emitter-appended) ---
"""Pipeline reference for scband-ginlayer-53326313947256 (READ-ONLY COPY).

The authoritative reference and input builder live on the scoring server;
editing this copy changes nothing except your own understanding.
"""

import jax, jax.numpy as jnp
import numpy as np

N = 10000
E = 320000
D = 128
BN_EPS = 1e-5


def setup_inputs(seed: int = 0) -> dict:
    key = jax.random.key(seed)
    ks = jax.random.split(key, 8)
    s = 1.0 / np.sqrt(D)
    x = jax.random.normal(ks[0], (N, D), dtype=jnp.float32)
    edge_index = jax.random.randint(ks[1], (2, E), 0, N, dtype=jnp.int32)
    batch = jnp.zeros((N,), dtype=jnp.int32)
    W1 = jax.random.normal(ks[2], (D, D), dtype=jnp.float32) * s
    b1 = jnp.zeros((D,), dtype=jnp.float32)
    g1 = jnp.ones((D,), dtype=jnp.float32)
    be1 = jnp.zeros((D,), dtype=jnp.float32)
    W2 = jax.random.normal(ks[3], (D, D), dtype=jnp.float32) * s
    b2 = jnp.zeros((D,), dtype=jnp.float32)
    g2 = jnp.ones((D,), dtype=jnp.float32)
    be2 = jnp.zeros((D,), dtype=jnp.float32)
    eps = jnp.zeros((), dtype=jnp.float32)  # train_eps=True, init epsilon=0.0
    return {"x": x, "edge_index": edge_index, "batch": batch,
            "W1": W1, "b1": b1, "g1": g1, "be1": be1,
            "W2": W2, "b2": b2, "g2": g2, "be2": be2, "eps": eps}


def _batchnorm(h, g, b):
    # training-mode BatchNorm1d: biased batch statistics
    m = jnp.mean(h, axis=0)
    v = jnp.var(h, axis=0)
    return g * (h - m) / jnp.sqrt(v + BN_EPS) + b


def reference(x, edge_index, batch, W1, b1, g1, be1, W2, b2, g2, be2, eps):
    src = edge_index[0]
    dst = edge_index[1]
    # GINConv aggregation: sum of source-node features at each destination node
    aggr = jnp.zeros_like(x).at[dst].add(x[src])
    h = (1.0 + eps) * x + aggr
    # MLP: Linear -> BN -> ReLU -> Linear -> BN -> ReLU
    h = h @ W1.T + b1
    h = jax.nn.relu(_batchnorm(h, g1, be1))
    h = h @ W2.T + b2
    h = jax.nn.relu(_batchnorm(h, g2, be2))
    return h

if __name__ == "__main__":
    import jax
    _d = setup_inputs()
    print(jax.jit(kernel)(*tuple(_d.values())))

</pallas_src>

<mosaic_0001>
#map = affine_map<(d0, d1) -> (0, 0)>
#map1 = affine_map<(d0, d1) -> (0, 0, 0)>
module attributes {stable_mosaic.version = 14 : i64} {
  func.func @agg(%arg0: i32, %arg1: i32, %arg2: memref<10000x128xf32, #tpu.memory_space<hbm>>, %arg3: memref<2x320000xi32, #tpu.memory_space<hbm>>, %arg4: memref<2x10112x128xf32, #tpu.memory_space<hbm>>, %arg5: memref<2x10240xi32, #tpu.memory_space<vmem>>, %arg6: memref<80xi32, #tpu.memory_space<vmem>>, %arg7: memref<80xi32, #tpu.memory_space<vmem>>, %arg8: memref<80xi32, #tpu.memory_space<vmem>>, %arg9: memref<80xi32, #tpu.memory_space<vmem>>, %arg10: memref<80x128xf32, #tpu.memory_space<vmem>>, %arg11: memref<80x128xf32, #tpu.memory_space<vmem>>, %arg12: memref<10112x128xf32, #tpu.memory_space<vmem_shared>>, %arg13: memref<!tpu.dma_semaphore, #tpu.memory_space<semaphore_mem>>, %arg14: memref<!tpu.dma_semaphore, #tpu.memory_space<semaphore_mem>>) attributes {dimension_semantics = [#tpu.dimension_semantics<core_parallel>, #tpu.dimension_semantics<subcore_parallel>], iteration_bounds = array<i64: 2, 16>, scalar_prefetch = 0 : i64, scratch_operands = 10 : i64, tpu.core_type = #tpu.core_type<sc_vector_subcore>, window_params = [{transform_indices = #map}, {transform_indices = #map}, {transform_indices = #map1}]} {
    %mul3A = arith.constant 2 : i32
    %mul3A_0 = arith.muli %arg1, %mul3A : i32
    %add3A = arith.addi %mul3A_0, %arg0 : i32
    %mul3A_1 = arith.constant 10000 : i32
    %mul3A_2 = arith.muli %add3A, %mul3A_1 : i32
    %jit3A = arith.constant 128 : i32
    %eq3A = arith.constant 0 : i32
    %eq3A_3 = arith.cmpi eq, %jit3A, %eq3A : i32
    %jit3A_4 = arith.constant 1 : i32
    %select_n3A = arith.select %eq3A_3, %jit3A_4, %jit3A : i32
    %rem3A = arith.remsi %mul3A_2, %select_n3A : i32
    %ne3A = arith.constant 0 : i32
    %ne3A_5 = arith.cmpi ne, %rem3A, %ne3A : i32
    %lt3A = arith.constant 0 : i32
    %lt3A_6 = arith.cmpi slt, %rem3A, %lt3A : i32
    %lt3A_7 = arith.constant 0 : i32
    %lt3A_8 = arith.cmpi slt, %select_n3A, %lt3A_7 : i32
    %ne3A_9 = arith.xori %lt3A_6, %lt3A_8 : i1
    %and3A = arith.andi %ne3A_9, %ne3A_5 : i1
    %add3A_10 = arith.addi %rem3A, %select_n3A : i32
    %select_n3A_11 = arith.select %and3A, %add3A_10, %rem3A : i32
    %sub3A = arith.subi %mul3A_2, %select_n3A_11 : i32
    %min3A = arith.constant 309760 : i32
    %min3A_12 = arith.minsi %sub3A, %min3A : i32
    %multiple_of3A = tpu.assume_multiple %min3A_12, 128 : i32
    %sub3A_13 = arith.subi %mul3A_2, %multiple_of3A : i32
    %multiple_of3A_14 = tpu.assume_multiple %sub3A_13, 16 : i32
    "tpu.region"() ({
      %run_scoped3A = tpu.sem_alloc : memref<!tpu.dma_semaphore, #tpu.memory_space<semaphore_mem>>
      %dma_start3A_372 = arith.constant 0 : i32
      %dma_start3A_373 = tpu.memref_slice %arg3[%dma_start3A_372, %multiple_of3A] : memref<2x320000xi32, #tpu.memory_space<hbm>> -> memref<2x10240xi32, #tpu.memory_space<hbm>>
      %dma_start3A_374 = arith.constant 0 : i32
      %dma_start3A_375 = tpu.memref_slice %arg3[%dma_start3A_374, %multiple_of3A] : memref<2x320000xi32, #tpu.memory_space<hbm>> -> memref<2x10240xi32, #tpu.memory_space<hbm>>
      tpu.enqueue_dma source(%dma_start3A_375 : memref<2x10240xi32, #tpu.memory_space<hbm>>) target(%arg5 : memref<2x10240xi32, #tpu.memory_space<vmem>>) target_semaphore(%run_scoped3A : memref<!tpu.dma_semaphore, #tpu.memory_space<semaphore_mem>>)
      %dma_wait3A_376 = arith.constant 0 : i32
      %dma_wait3A_377 = tpu.memref_slice %arg3[%dma_wait3A_376, %multiple_of3A] : memref<2x320000xi32, #tpu.memory_space<hbm>> -> memref<2x10240xi32, #tpu.memory_space<hbm>>
      %dma_wait3A_378 = arith.constant 0 : i32
      %dma_wait3A_379 = tpu.memref_slice %arg3[%dma_wait3A_378, %multiple_of3A] : memref<2x320000xi32, #tpu.memory_space<hbm>> -> memref<2x10240xi32, #tpu.memory_space<hbm>>
      tpu.wait_dma2 semaphore(%run_scoped3A : memref<!tpu.dma_semaphore, #tpu.memory_space<semaphore_mem>>) src(%dma_wait3A_379 : memref<2x10240xi32, #tpu.memory_space<hbm>>) dst(%arg5 : memref<2x10240xi32, #tpu.memory_space<vmem>>)
      tpu.yield
    }) : () -> ()
    %add3A_15 = arith.constant 0 : i32
    %add3A_16 = arith.addi %multiple_of3A_14, %add3A_15 : i32
    %add3A_17 = arith.constant 0 : i32
    %add3A_18 = arith.addi %add3A_16, %add3A_17 : i32
    %get3A = arith.constant 0 : i32
    %get3A_19 = arith.index_cast %get3A : i32 to index
    %get3A_20 = arith.index_cast %add3A_18 : i32 to index
    %get3A_21 = tpu.vector_load %arg5[%get3A_19, %get3A_20] {strides = array<i32>} : memref<2x10240xi32, #tpu.memory_space<vmem>>, vector<1x16xi32>,
    %get3A_22 = vector.shape_cast %get3A_21 : vector<1x16xi32> to vector<16xi32>
    %swap3A = arith.constant 0 : index
    %swap3A_23 = tpu.vector_load %arg6[%swap3A] {strides = array<i32>} : memref<80xi32, #tpu.memory_space<vmem>>, vector<16xi32>,
    %swap3A_24 = vector.shape_cast %swap3A_23 : vector<16xi32> to vector<16xi32>
    %swap3A_25 = vector.shape_cast %get3A_22 : vector<16xi32> to vector<16xi32>
    tpu.vector_store %arg6[%swap3A], %swap3A_25 {strides = array<i32>} : memref<80xi32, #tpu.memory_space<vmem>>, vector<16xi32>,
    %add3A_26 = arith.constant 0 : i32
    %add3A_27 = arith.addi %multiple_of3A_14, %add3A_26 : i32
    %add3A_28 = arith.constant 16 : i32
    %add3A_29 = arith.addi %add3A_27, %add3A_28 : i32
    %get3A_30 = arith.constant 0 : i32
    %get3A_31 = arith.index_cast %get3A_30 : i32 to index
    %get3A_32 = arith.index_cast %add3A_29 : i32 to index
    %get3A_33 = tpu.vector_load %arg5[%get3A_31, %get3A_32] {strides = array<i32>} : memref<2x10240xi32, #tpu.memory_space<vmem>>, vector<1x16xi32>,
    %get3A_34 = vector.shape_cast %get3A_33 : vector<1x16xi32> to vector<16xi32>
    %swap3A_35 = arith.constant 16 : index
    %swap3A_36 = tpu.vector_load %arg6[%swap3A_35] {strides = array<i32>} : memref<80xi32, #tpu.memory_space<vmem>>, vector<16xi32>,
    %swap3A_37 = vector.shape_cast %swap3A_36 : vector<16xi32> to vector<16xi32>
    %swap3A_38 = vector.shape_cast %get3A_34 : vector<16xi32> to vector<16xi32>
    tpu.vector_store %arg6[%swap3A_35], %swap3A_38 {strides = array<i32>} : memref<80xi32, #tpu.memory_space<vmem>>, vector<16xi32>,
    %add3A_39 = arith.constant 0 : i32
    %add3A_40 = arith.addi %multiple_of3A_14, %add3A_39 : i32
    %add3A_41 = arith.constant 32 : i32
    %add3A_42 = arith.addi %add3A_40, %add3A_41 : i32
    %get3A_43 = arith.constant 0 : i32
    %get3A_44 = arith.index_cast %get3A_43 : i32 to index
    %get3A_45 = arith.index_cast %add3A_42 : i32 to index
    %get3A_46 = tpu.vector_load %arg5[%get3A_44, %get3A_45] {strides = array<i32>} : memref<2x10240xi32, #tpu.memory_space<vmem>>, vector<1x16xi32>,
    %get3A_47 = vector.shape_cast %get3A_46 : vector<1x16xi32> to vector<16xi32>
    %swap3A_48 = arith.constant 32 : index
    %swap3A_49 = tpu.vector_load %arg6[%swap3A_48] {strides = array<i32>} : memref<80xi32, #tpu.memory_space<vmem>>, vector<16xi32>,
    %swap3A_50 = vector.shape_cast %swap3A_49 : vector<16xi32> to vector<16xi32>
    %swap3A_51 = vector.shape_cast %get3A_47 : vector<16xi32> to vector<16xi32>
    tpu.vector_store %arg6[%swap3A_48], %swap3A_51 {strides = array<i32>} : memref<80xi32, #tpu.memory_space<vmem>>, vector<16xi32>,
    %add3A_52 = arith.constant 0 : i32
    %add3A_53 = arith.addi %multiple_of3A_14, %add3A_52 : i32
    %add3A_54 = arith.constant 48 : i32
    %add3A_55 = arith.addi %add3A_53, %add3A_54 : i32
    %get3A_56 = arith.constant 0 : i32
    %get3A_57 = arith.index_cast %get3A_56 : i32 to index
    %get3A_58 = arith.index_cast %add3A_55 : i32 to index
    %get3A_59 = tpu.vector_load %arg5[%get3A_57, %get3A_58] {strides = array<i32>} : memref<2x10240xi32, #tpu.memory_space<vmem>>, vector<1x16xi32>,
    %get3A_60 = vector.shape_cast %get3A_59 : vector<1x16xi32> to vector<16xi32>
    %swap3A_61 = arith.constant 48 : index
    %swap3A_62 = tpu.vector_load %arg6[%swap3A_61] {strides = array<i32>} : memref<80xi32, #tpu.memory_space<vmem>>, vector<16xi32>,
    %swap3A_63 = vector.shape_cast %swap3A_62 : vector<16xi32> to vector<16xi32>
    %swap3A_64 = vector.shape_cast %get3A_60 : vector<16xi32> to vector<16xi32>
    tpu.vector_store %arg6[%swap3A_61], %swap3A_64 {strides = array<i32>} : memref<80xi32, #tpu.memory_space<vmem>>, vector<16xi32>,
    %add3A_65 = arith.constant 0 : i32
    %add3A_66 = arith.addi %multiple_of3A_14, %add3A_65 : i32
    %add3A_67 = arith.constant 64 : i32
    %add3A_68 = arith.addi %add3A_66, %add3A_67 : i32
    %get3A_69 = arith.constant 0 : i32
    %get3A_70 = arith.index_cast %get3A_69 : i32 to index
    %get3A_71 = arith.index_cast %add3A_68 : i32 to index
    %get3A_72 = tpu.vector_load %arg5[%get3A_70, %get3A_71] {strides = array<i32>} : memref<2x10240xi32, #tpu.memory_space<vmem>>, vector<1x16xi32>,
    %get3A_73 = vector.shape_cast %get3A_72 : vector<1x16xi32> to vector<16xi32>
    %swap3A_74 = arith.constant 64 : index
    %swap3A_75 = tpu.vector_load %arg6[%swap3A_74] {strides = array<i32>} : memref<80xi32, #tpu.memory_space<vmem>>, vector<16xi32>,
    %swap3A_76 = vector.shape_cast %swap3A_75 : vector<16xi32> to vector<16xi32>
    %swap3A_77 = vector.shape_cast %get3A_73 : vector<16xi32> to vector<16xi32>
    tpu.vector_store %arg6[%swap3A_74], %swap3A_77 {strides = array<i32>} : memref<80xi32, #tpu.memory_space<vmem>>, vector<16xi32>,
    %dma_start3A = arith.constant 0 : i32
    %dma_start3A_78 = arith.constant 0 : i32
    %dma_start3A_79 = tpu.memref_slice %arg2[%dma_start3A, %dma_start3A_78] : memref<10000x128xf32, #tpu.memory_space<hbm>> -> memref<10000x128xf32, #tpu.memory_space<hbm>>
    tpu.enqueue_indirect_dma source(%dma_start3A_79 : memref<10000x128xf32, #tpu.memory_space<hbm>>) target(%arg10 : memref<80x128xf32, #tpu.memory_space<vmem>>) offsets(%arg6 : memref<80xi32, #tpu.memory_space<vmem>>) semaphore(%arg13 : memref<!tpu.dma_semaphore, #tpu.memory_space<semaphore_mem>>)
    %broadcast_in_dim3A = arith.constant 0.000000e+00 : f32
    %broadcast_in_dim3A_80 = vector.broadcast %broadcast_in_dim3A : f32 to vector<16xf32>
    %scan3A = arith.constant 0 : i32
    %scan3A_81 = arith.constant 0 : i32
    %scan3A_82 = arith.constant 80 : i32
    %scan3A_83 = arith.addi %scan3A_81, %scan3A_82 : i32
    %scan3A_84 = arith.constant 1 : i32
    scf.for %scan3A_372 = %scan3A_81 to %scan3A_83 step %scan3A_84  : i32 {
      %swap3A_373 = arith.index_cast %scan3A_372 : i32 to index
      %swap3A_374 = arith.constant 0 : index
      %swap3A_375 = tpu.vector_load %arg11[%swap3A_373, %swap3A_374] {strides = array<i32>} : memref<80x128xf32, #tpu.memory_space<vmem>>, vector<1x16xf32>,
      %swap3A_376 = vector.shape_cast %swap3A_375 : vector<1x16xf32> to vector<16xf32>
      %swap3A_377 = vector.shape_cast %broadcast_in_dim3A_80 : vector<16xf32> to vector<1x16xf32>
      tpu.vector_store %arg11[%swap3A_373, %swap3A_374], %swap3A_377 {strides = array<i32>} : memref<80x128xf32, #tpu.memory_space<vmem>>, vector<1x16xf32>,
      %swap3A_378 = arith.index_cast %scan3A_372 : i32 to index
      %swap3A_379 = arith.constant 16 : index
      %swap3A_380 = tpu.vector_load %arg11[%swap3A_378, %swap3A_379] {strides = array<i32>} : memref<80x128xf32, #tpu.memory_space<vmem>>, vector<1x16xf32>,
      %swap3A_381 = vector.shape_cast %swap3A_380 : vector<1x16xf32> to vector<16xf32>
      %swap3A_382 = vector.shape_cast %broadcast_in_dim3A_80 : vector<16xf32> to vector<1x16xf32>
      tpu.vector_store %arg11[%swap3A_378, %swap3A_379], %swap3A_382 {strides = array<i32>} : memref<80x128xf32, #tpu.memory_space<vmem>>, vector<1x16xf32>,
      %swap3A_383 = arith.index_cast %scan3A_372 : i32 to index
      %swap3A_384 = arith.constant 32 : index
      %swap3A_385 = tpu.vector_load %arg11[%swap3A_383, %swap3A_384] {strides = array<i32>} : memref<80x128xf32, #tpu.memory_space<vmem>>, vector<1x16xf32>,
      %swap3A_386 = vector.shape_cast %swap3A_385 : vector<1x16xf32> to vector<16xf32>
      %swap3A_387 = vector.shape_cast %broadcast_in_dim3A_80 : vector<16xf32> to vector<1x16xf32>
      tpu.vector_store %arg11[%swap3A_383, %swap3A_384], %swap3A_387 {strides = array<i32>} : memref<80x128xf32, #tpu.memory_space<vmem>>, vector<1x16xf32>,
      %swap3A_388 = arith.index_cast %scan3A_372 : i32 to index
      %swap3A_389 = arith.constant 48 : index
      %swap3A_390 = tpu.vector_load %arg11[%swap3A_388, %swap3A_389] {strides = array<i32>} : memref<80x128xf32, #tpu.memory_space<vmem>>, vector<1x16xf32>,
      %swap3A_391 = vector.shape_cast %swap3A_390 : vector<1x16xf32> to vector<16xf32>
      %swap3A_392 = vector.shape_cast %broadcast_in_dim3A_80 : vector<16xf32> to vector<1x16xf32>
      tpu.vector_store %arg11[%swap3A_388, %swap3A_389], %swap3A_392 {strides = array<i32>} : memref<80x128xf32, #tpu.memory_space<vmem>>, vector<1x16xf32>,
      %swap3A_393 = arith.index_cast %scan3A_372 : i32 to index
      %swap3A_394 = arith.constant 64 : index
      %swap3A_395 = tpu.vector_load %arg11[%swap3A_393, %swap3A_394] {strides = array<i32>} : memref<80x128xf32, #tpu.memory_space<vmem>>, vector<1x16xf32>,
      %swap3A_396 = vector.shape_cast %swap3A_395 : vector<1x16xf32> to vector<16xf32>
      %swap3A_397 = vector.shape_cast %broadcast_in_dim3A_80 : vector<16xf32> to vector<1x16xf32>
      tpu.vector_store %arg11[%swap3A_393, %swap3A_394], %swap3A_397 {strides = array<i32>} : memref<80x128xf32, #tpu.memory_space<vmem>>, vector<1x16xf32>,
      %swap3A_398 = arith.index_cast %scan3A_372 : i32 to index
      %swap3A_399 = arith.constant 80 : index
      %swap3A_400 = tpu.vector_load %arg11[%swap3A_398, %swap3A_399] {strides = array<i32>} : memref<80x128xf32, #tpu.memory_space<vmem>>, vector<1x16xf32>,
      %swap3A_401 = vector.shape_cast %swap3A_400 : vector<1x16xf32> to vector<16xf32>
      %swap3A_402 = vector.shape_cast %broadcast_in_dim3A_80 : vector<16xf32> to vector<1x16xf32>
      tpu.vector_store %arg11[%swap3A_398, %swap3A_399], %swap3A_402 {strides = array<i32>} : memref<80x128xf32, #tpu.memory_space<vmem>>, vector<1x16xf32>,
      %swap3A_403 = arith.index_cast %scan3A_372 : i32 to index
      %swap3A_404 = arith.constant 96 : index
      %swap3A_405 = tpu.vector_load %arg11[%swap3A_403, %swap3A_404] {strides = array<i32>} : memref<80x128xf32, #tpu.memory_space<vmem>>, vector<1x16xf32>,
      %swap3A_406 = vector.shape_cast %swap3A_405 : vector<1x16xf32> to vector<16xf32>
      %swap3A_407 = vector.shape_cast %broadcast_in_dim3A_80 : vector<16xf32> to vector<1x16xf32>
      tpu.vector_store %arg11[%swap3A_403, %swap3A_404], %swap3A_407 {strides = array<i32>} : memref<80x128xf32, #tpu.memory_space<vmem>>, vector<1x16xf32>,
      %swap3A_408 = arith.index_cast %scan3A_372 : i32 to index
      %swap3A_409 = arith.constant 112 : index
      %swap3A_410 = tpu.vector_load %arg11[%swap3A_408, %swap3A_409] {strides = array<i32>} : memref<80x128xf32, #tpu.memory_space<vmem>>, vector<1x16xf32>,
      %swap3A_411 = vector.shape_cast %swap3A_410 : vector<1x16xf32> to vector<16xf32>
      %swap3A_412 = vector.shape_cast %broadcast_in_dim3A_80 : vector<16xf32> to vector<1x16xf32>
      tpu.vector_store %arg11[%swap3A_408, %swap3A_409], %swap3A_412 {strides = array<i32>} : memref<80x128xf32, #tpu.memory_space<vmem>>, vector<1x16xf32>,
    }
    %scan3A_85 = arith.constant 80 : i32
    %mul3A_86 = arith.constant 632 : i32
    %mul3A_87 = arith.muli %arg1, %mul3A_86 : i32
    %add3A_88 = arith.constant 0 : i32
    %add3A_89 = arith.addi %mul3A_87, %add3A_88 : i32
    %dma_start3A_90 = arith.constant 0 : i32
    %dma_start3A_91 = tpu.memref_slice %arg12[%add3A_89, %dma_start3A_90] : memref<10112x128xf32, #tpu.memory_space<vmem_shared>> -> memref<80x128xf32, #tpu.memory_space<vmem_shared>>
    %dma_start3A_92 = arith.constant 0 : i32
    %dma_start3A_93 = tpu.memref_slice %arg12[%add3A_89, %dma_start3A_92] : memref<10112x128xf32, #tpu.memory_space<vmem_shared>> -> memref<80x128xf32, #tpu.memory_space<vmem_shared>>
    tpu.enqueue_dma source(%arg11 : memref<80x128xf32, #tpu.memory_space<vmem>>) target(%dma_start3A_93 : memref<80x128xf32, #tpu.memory_space<vmem_shared>>) target_semaphore(%arg14 : memref<!tpu.dma_semaphore, #tpu.memory_space<semaphore_mem>>)
    %mul3A_94 = arith.constant 632 : i32
    %mul3A_95 = arith.muli %arg1, %mul3A_94 : i32
    %add3A_96 = arith.constant 80 : i32
    %add3A_97 = arith.addi %mul3A_95, %add3A_96 : i32
    %dma_start3A_98 = arith.constant 0 : i32
    %dma_start3A_99 = tpu.memref_slice %arg12[%add3A_97, %dma_start3A_98] : memref<10112x128xf32, #tpu.memory_space<vmem_shared>> -> memref<80x128xf32, #tpu.memory_space<vmem_shared>>
    %dma_start3A_100 = arith.constant 0 : i32
    %dma_start3A_101 = tpu.memref_slice %arg12[%add3A_97, %dma_start3A_100] : memref<10112x128xf32, #tpu.memory_space<vmem_shared>> -> memref<80x128xf32, #tpu.memory_space<vmem_shared>>
    tpu.enqueue_dma source(%arg11 : memref<80x128xf32, #tpu.memory_space<vmem>>) target(%dma_start3A_101 : memref<80x128xf32, #tpu.memory_space<vmem_shared>>) target_semaphore(%arg14 : memref<!tpu.dma_semaphore, #tpu.memory_space<semaphore_mem>>)
    %mul3A_102 = arith.constant 632 : i32
    %mul3A_103 = arith.muli %arg1, %mul3A_102 : i32
    %add3A_104 = arith.constant 160 : i32
    %add3A_105 = arith.addi %mul3A_103, %add3A_104 : i32
    %dma_start3A_106 = arith.constant 0 : i32
    %dma_start3A_107 = tpu.memref_slice %arg12[%add3A_105, %dma_start3A_106] : memref<10112x128xf32, #tpu.memory_space<vmem_shared>> -> memref<80x128xf32, #tpu.memory_space<vmem_shared>>
    %dma_start3A_108 = arith.constant 0 : i32
    %dma_start3A_109 = tpu.memref_slice %arg12[%add3A_105, %dma_start3A_108] : memref<10112x128xf32, #tpu.memory_space<vmem_shared>> -> memref<80x128xf32, #tpu.memory_space<vmem_shared>>
    tpu.enqueue_dma source(%arg11 : memref<80x128xf32, #tpu.memory_space<vmem>>) target(%dma_start3A_109 : memref<80x128xf32, #tpu.memory_space<vmem_shared>>) target_semaphore(%arg14 : memref<!tpu.dma_semaphore, #tpu.memory_space<semaphore_mem>>)
    %mul3A_110 = arith.constant 632 : i32
    %mul3A_111 = arith.muli %arg1, %mul3A_110 : i32
    %add3A_112 = arith.constant 240 : i32
    %add3A_113 = arith.addi %mul3A_111, %add3A_112 : i32
    %dma_start3A_114 = arith.constant 0 : i32
    %dma_start3A_115 = tpu.memref_slice %arg12[%add3A_113, %dma_start3A_114] : memref<10112x128xf32, #tpu.memory_space<vmem_shared>> -> memref<80x128xf32, #tpu.memory_space<vmem_shared>>
    %dma_start3A_116 = arith.constant 0 : i32
    %dma_start3A_117 = tpu.memref_slice %arg12[%add3A_113, %dma_start3A_116] : memref<10112x128xf32, #tpu.memory_space<vmem_shared>> -> memref<80x128xf32, #tpu.memory_space<vmem_shared>>
    tpu.enqueue_dma source(%arg11 : memref<80x128xf32, #tpu.memory_space<vmem>>) target(%dma_start3A_117 : memref<80x128xf32, #tpu.memory_space<vmem_shared>>) target_semaphore(%arg14 : memref<!tpu.dma_semaphore, #tpu.memory_space<semaphore_mem>>)
    %mul3A_118 = arith.constant 632 : i32
    %mul3A_119 = arith.muli %arg1, %mul3A_118 : i32
    %add3A_120 = arith.constant 320 : i32
    %add3A_121 = arith.addi %mul3A_119, %add3A_120 : i32
    %dma_start3A_122 = arith.constant 0 : i32
    %dma_start3A_123 = tpu.memref_slice %arg12[%add3A_121, %dma_start3A_122] : memref<10112x128xf32, #tpu.memory_space<vmem_shared>> -> memref<80x128xf32, #tpu.memory_space<vmem_shared>>
    %dma_start3A_124 = arith.constant 0 : i32
    %dma_start3A_125 = tpu.memref_slice %arg12[%add3A_121, %dma_start3A_124] : memref<10112x128xf32, #tpu.memory_space<vmem_shared>> -> memref<80x128xf32, #tpu.memory_space<vmem_shared>>
    tpu.enqueue_dma source(%arg11 : memref<80x128xf32, #tpu.memory_space<vmem>>) target(%dma_start3A_125 : memref<80x128xf32, #tpu.memory_space<vmem_shared>>) target_semaphore(%arg14 : memref<!tpu.dma_semaphore, #tpu.memory_space<semaphore_mem>>)
    %mul3A_126 = arith.constant 632 : i32
    %mul3A_127 = arith.muli %arg1, %mul3A_126 : i32
    %add3A_128 = arith.constant 400 : i32
    %add3A_129 = arith.addi %mul3A_127, %add3A_128 : i32
    %dma_start3A_130 = arith.constant 0 : i32
    %dma_start3A_131 = tpu.memref_slice %arg12[%add3A_129, %dma_start3A_130] : memref<10112x128xf32, #tpu.memory_space<vmem_shared>> -> memref<80x128xf32, #tpu.memory_space<vmem_shared>>
    %dma_start3A_132 = arith.constant 0 : i32
    %dma_start3A_133 = tpu.memref_slice %arg12[%add3A_129, %dma_start3A_132] : memref<10112x128xf32, #tpu.memory_space<vmem_shared>> -> memref<80x128xf32, #tpu.memory_space<vmem_shared>>
    tpu.enqueue_dma source(%arg11 : memref<80x128xf32, #tpu.memory_space<vmem>>) target(%dma_start3A_133 : memref<80x128xf32, #tpu.memory_space<vmem_shared>>) target_semaphore(%arg14 : memref<!tpu.dma_semaphore, #tpu.memory_space<semaphore_mem>>)
    %mul3A_134 = arith.constant 632 : i32
    %mul3A_135 = arith.muli %arg1, %mul3A_134 : i32
    %add3A_136 = arith.constant 480 : i32
    %add3A_137 = arith.addi %mul3A_135, %add3A_136 : i32
    %dma_start3A_138 = arith.constant 0 : i32
    %dma_start3A_139 = tpu.memref_slice %arg12[%add3A_137, %dma_start3A_138] : memref<10112x128xf32, #tpu.memory_space<vmem_shared>> -> memref<80x128xf32, #tpu.memory_space<vmem_shared>>
    %dma_start3A_140 = arith.constant 0 : i32
    %dma_start3A_141 = tpu.memref_slice %arg12[%add3A_137, %dma_start3A_140] : memref<10112x128xf32, #tpu.memory_space<vmem_shared>> -> memref<80x128xf32, #tpu.memory_space<vmem_shared>>
    tpu.enqueue_dma source(%arg11 : memref<80x128xf32, #tpu.memory_space<vmem>>) target(%dma_start3A_141 : memref<80x128xf32, #tpu.memory_space<vmem_shared>>) target_semaphore(%arg14 : memref<!tpu.dma_semaphore, #tpu.memory_space<semaphore_mem>>)
    %mul3A_142 = arith.constant 632 : i32
    %mul3A_143 = arith.muli %arg1, %mul3A_142 : i32
    %add3A_144 = arith.constant 560 : i32
    %add3A_145 = arith.addi %mul3A_143, %add3A_144 : i32
    %dma_start3A_146 = arith.constant 0 : i32
    %dma_start3A_147 = arith.constant 0 : i32
    %dma_start3A_148 = tpu.memref_slice %arg11[%dma_start3A_146, %dma_start3A_147] : memref<80x128xf32, #tpu.memory_space<vmem>> -> memref<72x128xf32, #tpu.memory_space<vmem>>
    %dma_start3A_149 = arith.constant 0 : i32
    %dma_start3A_150 = tpu.memref_slice %arg12[%add3A_145, %dma_start3A_149] : memref<10112x128xf32, #tpu.memory_space<vmem_shared>> -> memref<72x128xf32, #tpu.memory_space<vmem_shared>>
    %dma_start3A_151 = arith.constant 0 : i32
    %dma_start3A_152 = tpu.memref_slice %arg12[%add3A_145, %dma_start3A_151] : memref<10112x128xf32, #tpu.memory_space<vmem_shared>> -> memref<72x128xf32, #tpu.memory_space<vmem_shared>>
    %dma_start3A_153 = arith.constant 0 : i32
    %dma_start3A_154 = arith.constant 0 : i32
    %dma_start3A_155 = tpu.memref_slice %arg11[%dma_start3A_153, %dma_start3A_154] : memref<80x128xf32, #tpu.memory_space<vmem>> -> memref<72x128xf32, #tpu.memory_space<vmem>>
    tpu.enqueue_dma source(%dma_start3A_155 : memref<72x128xf32, #tpu.memory_space<vmem>>) target(%dma_start3A_152 : memref<72x128xf32, #tpu.memory_space<vmem_shared>>) target_semaphore(%arg14 : memref<!tpu.dma_semaphore, #tpu.memory_space<semaphore_mem>>)
    %mul3A_156 = arith.constant 632 : i32
    %mul3A_157 = arith.muli %arg1, %mul3A_156 : i32
    %add3A_158 = arith.constant 0 : i32
    %add3A_159 = arith.addi %mul3A_157, %add3A_158 : i32
    %dma_wait3A = arith.constant 0 : i32
    %dma_wait3A_160 = tpu.memref_slice %arg12[%add3A_159, %dma_wait3A] : memref<10112x128xf32, #tpu.memory_space<vmem_shared>> -> memref<80x128xf32, #tpu.memory_space<vmem_shared>>
    %dma_wait3A_161 = arith.constant 0 : i32
    %dma_wait3A_162 = tpu.memref_slice %arg12[%add3A_159, %dma_wait3A_161] : memref<10112x128xf32, #tpu.memory_space<vmem_shared>> -> memref<80x128xf32, #tpu.memory_space<vmem_shared>>
    tpu.wait_dma2 semaphore(%arg14 : memref<!tpu.dma_semaphore, #tpu.memory_space<semaphore_mem>>) src(%arg11 : memref<80x128xf32, #tpu.memory_space<vmem>>) dst(%dma_wait3A_162 : memref<80x128xf32, #tpu.memory_space<vmem_shared>>)
    %mul3A_163 = arith.constant 632 : i32
    %mul3A_164 = arith.muli %arg1, %mul3A_163 : i32
    %add3A_165 = arith.constant 80 : i32
    %add3A_166 = arith.addi %mul3A_164, %add3A_165 : i32
    %dma_wait3A_167 = arith.constant 0 : i32
    %dma_wait3A_168 = tpu.memref_slice %arg12[%add3A_166, %dma_wait3A_167] : memref<10112x128xf32, #tpu.memory_space<vmem_shared>> -> memref<80x128xf32, #tpu.memory_space<vmem_shared>>
    %dma_wait3A_169 = arith.constant 0 : i32
    %dma_wait3A_170 = tpu.memref_slice %arg12[%add3A_166, %dma_wait3A_169] : memref<10112x128xf32, #tpu.memory_space<vmem_shared>> -> memref<80x128xf32, #tpu.memory_space<vmem_shared>>
    tpu.wait_dma2 semaphore(%arg14 : memref<!tpu.dma_semaphore, #tpu.memory_space<semaphore_mem>>) src(%arg11 : memref<80x128xf32, #tpu.memory_space<vmem>>) dst(%dma_wait3A_170 : memref<80x128xf32, #tpu.memory_space<vmem_shared>>)
    %mul3A_171 = arith.constant 632 : i32
    %mul3A_172 = arith.muli %arg1, %mul3A_171 : i32
    %add3A_173 = arith.constant 160 : i32
    %add3A_174 = arith.addi %mul3A_172, %add3A_173 : i32
    %dma_wait3A_175 = arith.constant 0 : i32
    %dma_wait3A_176 = tpu.memref_slice %arg12[%add3A_174, %dma_wait3A_175] : memref<10112x128xf32, #tpu.memory_space<vmem_shared>> -> memref<80x128xf32, #tpu.memory_space<vmem_shared>>
    %dma_wait3A_177 = arith.constant 0 : i32
    %dma_wait3A_178 = tpu.memref_slice %arg12[%add3A_174, %dma_wait3A_177] : memref<10112x128xf32, #tpu.memory_space<vmem_shared>> -> memref<80x128xf32, #tpu.memory_space<vmem_shared>>
    tpu.wait_dma2 semaphore(%arg14 : memref<!tpu.dma_semaphore, #tpu.memory_space<semaphore_mem>>) src(%arg11 : memref<80x128xf32, #tpu.memory_space<vmem>>) dst(%dma_wait3A_178 : memref<80x128xf32, #tpu.memory_space<vmem_shared>>)
    %mul3A_179 = arith.constant 632 : i32
    %mul3A_180 = arith.muli %arg1, %mul3A_179 : i32
    %add3A_181 = arith.constant 240 : i32
    %add3A_182 = arith.addi %mul3A_180, %add3A_181 : i32
    %dma_wait3A_183 = arith.constant 0 : i32
    %dma_wait3A_184 = tpu.memref_slice %arg12[%add3A_182, %dma_wait3A_183] : memref<10112x128xf32, #tpu.memory_space<vmem_shared>> -> memref<80x128xf32, #tpu.memory_space<vmem_shared>>
    %dma_wait3A_185 = arith.constant 0 : i32
    %dma_wait3A_186 = tpu.memref_slice %arg12[%add3A_182, %dma_wait3A_185] : memref<10112x128xf32, #tpu.memory_space<vmem_shared>> -> memref<80x128xf32, #tpu.memory_space<vmem_shared>>
    tpu.wait_dma2 semaphore(%arg14 : memref<!tpu.dma_semaphore, #tpu.memory_space<semaphore_mem>>) src(%arg11 : memref<80x128xf32, #tpu.memory_space<vmem>>) dst(%dma_wait3A_186 : memref<80x128xf32, #tpu.memory_space<vmem_shared>>)
    %mul3A_187 = arith.constant 632 : i32
    %mul3A_188 = arith.muli %arg1, %mul3A_187 : i32
    %add3A_189 = arith.constant 320 : i32
    %add3A_190 = arith.addi %mul3A_188, %add3A_189 : i32
    %dma_wait3A_191 = arith.constant 0 : i32
    %dma_wait3A_192 = tpu.memref_slice %arg12[%add3A_190, %dma_wait3A_191] : memref<10112x128xf32, #tpu.memory_space<vmem_shared>> -> memref<80x128xf32, #tpu.memory_space<vmem_shared>>
    %dma_wait3A_193 = arith.constant 0 : i32
    %dma_wait3A_194 = tpu.memref_slice %arg12[%add3A_190, %dma_wait3A_193] : memref<10112x128xf32, #tpu.memory_space<vmem_shared>> -> memref<80x128xf32, #tpu.memory_space<vmem_shared>>
    tpu.wait_dma2 semaphore(%arg14 : memref<!tpu.dma_semaphore, #tpu.memory_space<semaphore_mem>>) src(%arg11 : memref<80x128xf32, #tpu.memory_space<vmem>>) dst(%dma_wait3A_194 : memref<80x128xf32, #tpu.memory_space<vmem_shared>>)
    %mul3A_195 = arith.constant 632 : i32
    %mul3A_196 = arith.muli %arg1, %mul3A_195 : i32
    %add3A_197 = arith.constant 400 : i32
    %add3A_198 = arith.addi %mul3A_196, %add3A_197 : i32
    %dma_wait3A_199 = arith.constant 0 : i32
    %dma_wait3A_200 = tpu.memref_slice %arg12[%add3A_198, %dma_wait3A_199] : memref<10112x128xf32, #tpu.memory_space<vmem_shared>> -> memref<80x128xf32, #tpu.memory_space<vmem_shared>>
    %dma_wait3A_201 = arith.constant 0 : i32
    %dma_wait3A_202 = tpu.memref_slice %arg12[%add3A_198, %dma_wait3A_201] : memref<10112x128xf32, #tpu.memory_space<vmem_shared>> -> memref<80x128xf32, #tpu.memory_space<vmem_shared>>
    tpu.wait_dma2 semaphore(%arg14 : memref<!tpu.dma_semaphore, #tpu.memory_space<semaphore_mem>>) src(%arg11 : memref<80x128xf32, #tpu.memory_space<vmem>>) dst(%dma_wait3A_202 : memref<80x128xf32, #tpu.memory_space<vmem_shared>>)
    %mul3A_203 = arith.constant 632 : i32
    %mul3A_204 = arith.muli %arg1, %mul3A_203 : i32
    %add3A_205 = arith.constant 480 : i32
    %add3A_206 = arith.addi %mul3A_204, %add3A_205 : i32
    %dma_wait3A_207 = arith.constant 0 : i32
    %dma_wait3A_208 = tpu.memref_slice %arg12[%add3A_206, %dma_wait3A_207] : memref<10112x128xf32, #tpu.memory_space<vmem_shared>> -> memref<80x128xf32, #tpu.memory_space<vmem_shared>>
    %dma_wait3A_209 = arith.constant 0 : i32
    %dma_wait3A_210 = tpu.memref_slice %arg12[%add3A_206, %dma_wait3A_209] : memref<10112x128xf32, #tpu.memory_space<vmem_shared>> -> memref<80x128xf32, #tpu.memory_space<vmem_shared>>
    tpu.wait_dma2 semaphore(%arg14 : memref<!tpu.dma_semaphore, #tpu.memory_space<semaphore_mem>>) src(%arg11 : memref<80x128xf32, #tpu.memory_space<vmem>>) dst(%dma_wait3A_210 : memref<80x128xf32, #tpu.memory_space<vmem_shared>>)
    %mul3A_211 = arith.constant 632 : i32
    %mul3A_212 = arith.muli %arg1, %mul3A_211 : i32
    %add3A_213 = arith.constant 560 : i32
    %add3A_214 = arith.addi %mul3A_212, %add3A_213 : i32
    %dma_wait3A_215 = arith.constant 0 : i32
    %dma_wait3A_216 = arith.constant 0 : i32
    %dma_wait3A_217 = tpu.memref_slice %arg11[%dma_wait3A_215, %dma_wait3A_216] : memref<80x128xf32, #tpu.memory_space<vmem>> -> memref<72x128xf32, #tpu.memory_space<vmem>>
    %dma_wait3A_218 = arith.constant 0 : i32
    %dma_wait3A_219 = tpu.memref_slice %arg12[%add3A_214, %dma_wait3A_218] : memref<10112x128xf32, #tpu.memory_space<vmem_shared>> -> memref<72x128xf32, #tpu.memory_space<vmem_shared>>
    %dma_wait3A_220 = arith.constant 0 : i32
    %dma_wait3A_221 = tpu.memref_slice %arg12[%add3A_214, %dma_wait3A_220] : memref<10112x128xf32, #tpu.memory_space<vmem_shared>> -> memref<72x128xf32, #tpu.memory_space<vmem_shared>>
    %dma_wait3A_222 = arith.constant 0 : i32
    %dma_wait3A_223 = arith.constant 0 : i32
    %dma_wait3A_224 = tpu.memref_slice %arg11[%dma_wait3A_222, %dma_wait3A_223] : memref<80x128xf32, #tpu.memory_space<vmem>> -> memref<72x128xf32, #tpu.memory_space<vmem>>
    tpu.wait_dma2 semaphore(%arg14 : memref<!tpu.dma_semaphore, #tpu.memory_space<semaphore_mem>>) src(%dma_wait3A_224 : memref<72x128xf32, #tpu.memory_space<vmem>>) dst(%dma_wait3A_221 : memref<72x128xf32, #tpu.memory_space<vmem_shared>>)
    %add3A_225 = arith.constant 80 : i32
    %add3A_226 = arith.addi %multiple_of3A_14, %add3A_225 : i32
    %add3A_227 = arith.constant 0 : i32
    %add3A_228 = arith.addi %add3A_226, %add3A_227 : i32
    %get3A_229 = arith.constant 0 : i32
    %get3A_230 = arith.index_cast %get3A_229 : i32 to index
    %get3A_231 = arith.index_cast %add3A_228 : i32 to index
    %get3A_232 = tpu.vector_load %arg5[%get3A_230, %get3A_231] {strides = array<i32>} : memref<2x10240xi32, #tpu.memory_space<vmem>>, vector<1x16xi32>,
    %get3A_233 = vector.shape_cast %get3A_232 : vector<1x16xi32> to vector<16xi32>
    %swap3A_234 = arith.constant 0 : index
    %swap3A_235 = tpu.vector_load %arg7[%swap3A_234] {strides = array<i32>} : memref<80xi32, #tpu.memory_space<vmem>>, vector<16xi32>,
    %swap3A_236 = vector.shape_cast %swap3A_235 : vector<16xi32> to vector<16xi32>
    %swap3A_237 = vector.shape_cast %get3A_233 : vector<16xi32> to vector<16xi32>
    tpu.vector_store %arg7[%swap3A_234], %swap3A_237 {strides = array<i32>} : memref<80xi32, #tpu.memory_space<vmem>>, vector<16xi32>,
    %add3A_238 = arith.constant 80 : i32
    %add3A_239 = arith.addi %multiple_of3A_14, %add3A_238 : i32
    %add3A_240 = arith.constant 16 : i32
    %add3A_241 = arith.addi %add3A_239, %add3A_240 : i32
    %get3A_242 = arith.constant 0 : i32
    %get3A_243 = arith.index_cast %get3A_242 : i32 to index
    %get3A_244 = arith.index_cast %add3A_241 : i32 to index
    %get3A_245 = tpu.vector_load %arg5[%get3A_243, %get3A_244] {strides = array<i32>} : memref<2x10240xi32, #tpu.memory_space<vmem>>, vector<1x16xi32>,
    %get3A_246 = vector.shape_cast %get3A_245 : vector<1x16xi32> to vector<16xi32>
    %swap3A_247 = arith.constant 16 : index
    %swap3A_248 = tpu.vector_load %arg7[%swap3A_247] {strides = array<i32>} : memref<80xi32, #tpu.memory_space<vmem>>, vector<16xi32>,
    %swap3A_249 = vector.shape_cast %swap3A_248 : vector<16xi32> to vector<16xi32>
    %swap3A_250 = vector.shape_cast %get3A_246 : vector<16xi32> to vector<16xi32>
    tpu.vector_store %arg7[%swap3A_247], %swap3A_250 {strides = array<i32>} : memref<80xi32, #tpu.memory_space<vmem>>, vector<16xi32>,
    %add3A_251 = arith.constant 80 : i32
    %add3A_252 = arith.addi %multiple_of3A_14, %add3A_251 : i32
    %add3A_253 = arith.constant 32 : i32
    %add3A_254 = arith.addi %add3A_252, %add3A_253 : i32
    %get3A_255 = arith.constant 0 : i32
    %get3A_256 = arith.index_cast %get3A_255 : i32 to index
    %get3A_257 = arith.index_cast %add3A_254 : i32 to index
    %get3A_258 = tpu.vector_load %arg5[%get3A_256, %get3A_257] {strides = array<i32>} : memref<2x10240xi32, #tpu.memory_space<vmem>>, vector<1x16xi32>,
    %get3A_259 = vector.shape_cast %get3A_258 : vector<1x16xi32> to vector<16xi32>
    %swap3A_260 = arith.constant 32 : index
    %swap3A_261 = tpu.vector_load %arg7[%swap3A_260] {strides = array<i32>} : memref<80xi32, #tpu.memory_space<vmem>>, vector<16xi32>,
    %swap3A_262 = vector.shape_cast %swap3A_261 : vector<16xi32> to vector<16xi32>
    %swap3A_263 = vector.shape_cast %get3A_259 : vector<16xi32> to vector<16xi32>
    tpu.vector_store %arg7[%swap3A_260], %swap3A_263 {strides = array<i32>} : memref<80xi32, #tpu.memory_space<vmem>>, vector<16xi32>,
    %add3A_264 = arith.constant 80 : i32
    %add3A_265 = arith.addi %multiple_of3A_14, %add3A_264 : i32
    %add3A_266 = arith.constant 48 : i32
    %add3A_267 = arith.addi %add3A_265, %add3A_266 : i32
    %get3A_268 = arith.constant 0 : i32
    %get3A_269 = arith.index_cast %get3A_268 : i32 to index
    %get3A_270 = arith.index_cast %add3A_267 : i32 to index
    %get3A_271 = tpu.vector_load %arg5[%get3A_269, %get3A_270] {strides = array<i32>} : memref<2x10240xi32, #tpu.memory_space<vmem>>, vector<1x16xi32>,
    %get3A_272 = vector.shape_cast %get3A_271 : vector<1x16xi32> to vector<16xi32>
    %swap3A_273 = arith.constant 48 : index
    %swap3A_274 = tpu.vector_load %arg7[%swap3A_273] {strides = array<i32>} : memref<80xi32, #tpu.memory_space<vmem>>, vector<16xi32>,
    %swap3A_275 = vector.shape_cast %swap3A_274 : vector<16xi32> to vector<16xi32>
    %swap3A_276 = vector.shape_cast %get3A_272 : vector<16xi32> to vector<16xi32>
    tpu.vector_store %arg7[%swap3A_273], %swap3A_276 {strides = array<i32>} : memref<80xi32, #tpu.memory_space<vmem>>, vector<16xi32>,
    %add3A_277 = arith.constant 80 : i32
    %add3A_278 = arith.addi %multiple_of3A_14, %add3A_277 : i32
    %add3A_279 = arith.constant 64 : i32
    %add3A_280 = arith.addi %add3A_278, %add3A_279 : i32
    %get3A_281 = arith.constant 0 : i32
    %get3A_282 = arith.index_cast %get3A_281 : i32 to index
    %get3A_283 = arith.index_cast %add3A_280 : i32 to index
    %get3A_284 = tpu.vector_load %arg5[%get3A_282, %get3A_283] {strides = array<i32>} : memref<2x10240xi32, #tpu.memory_space<vmem>>, vector<1x16xi32>,
    %get3A_285 = vector.shape_cast %get3A_284 : vector<1x16xi32> to vector<16xi32>
    %swap3A_286 = arith.constant 64 : index
    %swap3A_287 = tpu.vector_load %arg7[%swap3A_286] {strides = array<i32>} : memref<80xi32, #tpu.memory_space<vmem>>, vector<16xi32>,
    %swap3A_288 = vector.shape_cast %swap3A_287 : vector<16xi32> to vector<16xi32>
    %swap3A_289 = vector.shape_cast %get3A_285 : vector<16xi32> to vector<16xi32>
    tpu.vector_store %arg7[%swap3A_286], %swap3A_289 {strides = array<i32>} : memref<80xi32, #tpu.memory_space<vmem>>, vector<16xi32>,
    %dma_start3A_290 = arith.constant 0 : i32
    %dma_start3A_291 = arith.constant 0 : i32
    %dma_start3A_292 = tpu.memref_slice %arg2[%dma_start3A_290, %dma_start3A_291] : memref<10000x128xf32, #tpu.memory_space<hbm>> -> memref<10000x128xf32, #tpu.memory_space<hbm>>
    tpu.enqueue_indirect_dma source(%dma_start3A_292 : memref<10000x128xf32, #tpu.memory_space<hbm>>) target(%arg11 : memref<80x128xf32, #tpu.memory_space<vmem>>) offsets(%arg7 : memref<80xi32, #tpu.memory_space<vmem>>) semaphore(%arg14 : memref<!tpu.dma_semaphore, #tpu.memory_space<semaphore_mem>>)
    %barrier3A = arith.constant 0 : index
    tpu.barrier barrier_id(%barrier3A)
    %scan3A_293 = arith.constant 0 : i32
    %scan3A_294 = arith.constant 0 : i32
    %scan3A_295 = arith.constant 62 : i32
    %scan3A_296 = arith.addi %scan3A_294, %scan3A_295 : i32
    %scan3A_297 = arith.constant 1 : i32
    scf.for %scan3A_372 = %scan3A_294 to %scan3A_296 step %scan3A_297  : i32 {
      %mul3A_373 = arith.constant 2 : i32
      %mul3A_374 = arith.muli %mul3A_373, %scan3A_372 : i32
      %dma_wait3A_375 = arith.constant 0 : i32
      %dma_wait3A_376 = arith.constant 0 : i32
      %dma_wait3A_377 = tpu.memref_slice %arg2[%dma_wait3A_375, %dma_wait3A_376] : memref<10000x128xf32, #tpu.memory_space<hbm>> -> memref<10000x128xf32, #tpu.memory_space<hbm>>
      tpu.wait_indirect_dma semaphore(%arg13 : memref<!tpu.dma_semaphore, #tpu.memory_space<semaphore_mem>>) src(%dma_wait3A_377 : memref<10000x128xf32, #tpu.memory_space<hbm>>) dst(%arg10 : memref<80x128xf32, #tpu.memory_space<vmem>>)
      %mul3A_378 = arith.constant 80 : i32
      %mul3A_379 = arith.muli %mul3A_374, %mul3A_378 : i32
      %add3A_380 = arith.addi %multiple_of3A_14, %mul3A_379 : i32
      %add3A_381 = arith.constant 0 : i32
      %add3A_382 = arith.addi %add3A_380, %add3A_381 : i32
      %get3A_383 = arith.constant 1 : i32
      %get3A_384 = arith.index_cast %get3A_383 : i32 to index
      %get3A_385 = arith.index_cast %add3A_382 : i32 to index
      %get3A_386 = tpu.vector_load %arg5[%get3A_384, %get3A_385] {strides = array<i32>} : memref<2x10240xi32, #tpu.memory_space<vmem>>, vector<1x16xi32>,
      %get3A_387 = vector.shape_cast %get3A_386 : vector<1x16xi32> to vector<16xi32>
      %swap3A_388 = arith.constant 0 : index
      %swap3A_389 = tpu.vector_load %arg8[%swap3A_388] {strides = array<i32>} : memref<80xi32, #tpu.memory_space<vmem>>, vector<16xi32>,
      %swap3A_390 = vector.shape_cast %swap3A_389 : vector<16xi32> to vector<16xi32>
      %swap3A_391 = vector.shape_cast %get3A_387 : vector<16xi32> to vector<16xi32>
      tpu.vector_store %arg8[%swap3A_388], %swap3A_391 {strides = array<i32>} : memref<80xi32, #tpu.memory_space<vmem>>, vector<16xi32>,
      %mul3A_392 = arith.constant 80 : i32
      %mul3A_393 = arith.muli %mul3A_374, %mul3A_392 : i32
      %add3A_394 = arith.addi %multiple_of3A_14, %mul3A_393 : i32
      %add3A_395 = arith.constant 16 : i32
      %add3A_396 = arith.addi %add3A_394, %add3A_395 : i32
      %get3A_397 = arith.constant 1 : i32
      %get3A_398 = arith.index_cast %get3A_397 : i32 to index
      %get3A_399 = arith.index_cast %add3A_396 : i32 to index
      %get3A_400 = tpu.vector_load %arg5[%get3A_398, %get3A_399] {strides = array<i32>} : memref<2x10240xi32, #tpu.memory_space<vmem>>, vector<1x16xi32>,
      %get3A_401 = vector.shape_cast %get3A_400 : vector<1x16xi32> to vector<16xi32>
      %swap3A_402 = arith.constant 16 : index
      %swap3A_403 = tpu.vector_load %arg8[%swap3A_402] {strides = array<i32>} : memref<80xi32, #tpu.memory_space<vmem>>, vector<16xi32>,
      %swap3A_404 = vector.shape_cast %swap3A_403 : vector<16xi32> to vector<16xi32>
      %swap3A_405 = vector.shape_cast %get3A_401 : vector<16xi32> to vector<16xi32>
      tpu.vector_store %arg8[%swap3A_402], %swap3A_405 {strides = array<i32>} : memref<80xi32, #tpu.memory_space<vmem>>, vector<16xi32>,
      %mul3A_406 = arith.constant 80 : i32
      %mul3A_407 = arith.muli %mul3A_374, %mul3A_406 : i32
      %add3A_408 = arith.addi %multiple_of3A_14, %mul3A_407 : i32
      %add3A_409 = arith.constant 32 : i32
      %add3A_410 = arith.addi %add3A_408, %add3A_409 : i32
      %get3A_411 = arith.constant 1 : i32
      %get3A_412 = arith.index_cast %get3A_411 : i32 to index
      %get3A_413 = arith.index_cast %add3A_410 : i32 to index
      %get3A_414 = tpu.vector_load %arg5[%get3A_412, %get3A_413] {strides = array<i32>} : memref<2x10240xi32, #tpu.memory_space<vmem>>, vector<1x16xi32>,
      %get3A_415 = vector.shape_cast %get3A_414 : vector<1x16xi32> to vector<16xi32>
      %swap3A_416 = arith.constant 32 : index
      %swap3A_417 = tpu.vector_load %arg8[%swap3A_416] {strides = array<i32>} : memref<80xi32, #tpu.memory_space<vmem>>, vector<16xi32>,
      %swap3A_418 = vector.shape_cast %swap3A_417 : vector<16xi32> to vector<16xi32>
      %swap3A_419 = vector.shape_cast %get3A_415 : vector<16xi32> to vector<16xi32>
      tpu.vector_store %arg8[%swap3A_416], %swap3A_419 {strides = array<i32>} : memref<80xi32, #tpu.memory_space<vmem>>, vector<16xi32>,
      %mul3A_420 = arith.constant 80 : i32
      %mul3A_421 = arith.muli %mul3A_374, %mul3A_420 : i32
      %add3A_422 = arith.addi %multiple_of3A_14, %mul3A_421 : i32
      %add3A_423 = arith.constant 48 : i32
      %add3A_424 = arith.addi %add3A_422, %add3A_423 : i32
      %get3A_425 = arith.constant 1 : i32
      %get3A_426 = arith.index_cast %get3A_425 : i32 to index
      %get3A_427 = arith.index_cast %add3A_424 : i32 to index
      %get3A_428 = tpu.vector_load %arg5[%get3A_426, %get3A_427] {strides = array<i32>} : memref<2x10240xi32, #tpu.memory_space<vmem>>, vector<1x16xi32>,
      %get3A_429 = vector.shape_cast %get3A_428 : vector<1x16xi32> to vector<16xi32>
      %swap3A_430 = arith.constant 48 : index
      %swap3A_431 = tpu.vector_load %arg8[%swap3A_430] {strides = array<i32>} : memref<80xi32, #tpu.memory_space<vmem>>, vector<16xi32>,
      %swap3A_432 = vector.shape_cast %swap3A_431 : vector<16xi32> to vector<16xi32>
      %swap3A_433 = vector.shape_cast %get3A_429 : vector<16xi32> to vector<16xi32>
      tpu.vector_store %arg8[%swap3A_430], %swap3A_433 {strides = array<i32>} : memref<80xi32, #tpu.memory_space<vmem>>, vector<16xi32>,
      %mul3A_434 = arith.constant 80 : i32
      %mul3A_435 = arith.muli %mul3A_374, %mul3A_434 : i32
      %add3A_436 = arith.addi %multiple_of3A_14, %mul3A_435 : i32
      %add3A_437 = arith.constant 64 : i32
      %add3A_438 = arith.addi %add3A_436, %add3A_437 : i32
      %get3A_439 = arith.constant 1 : i32
      %get3A_440 = arith.index_cast %get3A_439 : i32 to index
      %get3A_441 = arith.index_cast %add3A_438 : i32 to index
      %get3A_442 = tpu.vector_load %arg5[%get3A_440, %get3A_441] {strides = array<i32>} : memref<2x10240xi32, #tpu.memory_space<vmem>>, vector<1x16xi32>,
      %get3A_443 = vector.shape_cast %get3A_442 : vector<1x16xi32> to vector<16xi32>
      %swap3A_444 = arith.constant 64 : index
      %swap3A_445 = tpu.vector_load %arg8[%swap3A_444] {strides = array<i32>} : memref<80xi32, #tpu.memory_space<vmem>>, vector<16xi32>,
      %swap3A_446 = vector.shape_cast %swap3A_445 : vector<16xi32> to vector<16xi32>
      %swap3A_447 = vector.shape_cast %get3A_443 : vector<16xi32> to vector<16xi32>
      tpu.vector_store %arg8[%swap3A_444], %swap3A_447 {strides = array<i32>} : memref<80xi32, #tpu.memory_space<vmem>>, vector<16xi32>,
      "tpu.region"() ({
        %run_scoped3A = tpu.sem_alloc : memref<!tpu.dma_semaphore, #tpu.memory_space<semaphore_mem>>
        %dma_start3A_535 = arith.constant 0 : i32
        %dma_start3A_536 = arith.constant 0 : i32
        %dma_start3A_537 = tpu.memref_slice %arg12[%dma_start3A_535, %dma_start3A_536] : memref<10112x128xf32, #tpu.memory_space<vmem_shared>> -> memref<10112x128xf32, #tpu.memory_space<vmem_shared>>
        tpu.enqueue_indirect_dma source(%arg10 : memref<80x128xf32, #tpu.memory_space<vmem>>) target(%dma_start3A_537 : memref<10112x128xf32, #tpu.memory_space<vmem_shared>>) offsets(%arg8 : memref<80xi32, #tpu.memory_space<vmem>>) semaphore(%run_scoped3A : memref<!tpu.dma_semaphore, #tpu.memory_space<semaphore_mem>>) {add = true}
        %dma_wait3A_538 = arith.constant 0 : i32
        %dma_wait3A_539 = arith.constant 0 : i32
        %dma_wait3A_540 = tpu.memref_slice %arg12[%dma_wait3A_538, %dma_wait3A_539] : memref<10112x128xf32, #tpu.memory_space<vmem_shared>> -> memref<10112x128xf32, #tpu.memory_space<vmem_shared>>
        tpu.wait_indirect_dma semaphore(%run_scoped3A : memref<!tpu.dma_semaphore, #tpu.memory_space<semaphore_mem>>) src(%arg10 : memref<80x128xf32, #tpu.memory_space<vmem>>) dst(%dma_wait3A_540 : memref<10112x128xf32, #tpu.memory_space<vmem_shared>>)
        tpu.yield
      }) : () -> ()
      %add3A_448 = arith.constant 2 : i32
      %add3A_449 = arith.addi %mul3A_374, %add3A_448 : i32
      %lt3A_450 = arith.constant 125 : i32
      %lt3A_451 = arith.cmpi slt, %add3A_449, %lt3A_450 : i32
      %convert_element_type3A = arith.extui %lt3A_451 : i1 to i32
      %cond3A = arith.constant 0 : i32
      %cond3A_452 = arith.cmpi ne, %convert_element_type3A, %cond3A : i32
      scf.if %cond3A_452 {
        %add3A_535 = arith.constant 2 : i32
        %add3A_536 = arith.addi %mul3A_374, %add3A_535 : i32
        %mul3A_537 = arith.constant 80 : i32
        %mul3A_538 = arith.muli %add3A_536, %mul3A_537 : i32
        %add3A_539 = arith.addi %multiple_of3A_14, %mul3A_538 : i32
        %add3A_540 = arith.constant 0 : i32
        %add3A_541 = arith.addi %add3A_539, %add3A_540 : i32
        %get3A_542 = arith.constant 0 : i32
        %get3A_543 = arith.index_cast %get3A_542 : i32 to index
        %get3A_544 = arith.index_cast %add3A_541 : i32 to index
        %get3A_545 = tpu.vector_load %arg5[%get3A_543, %get3A_544] {strides = array<i32>} : memref<2x10240xi32, #tpu.memory_space<vmem>>, vector<1x16xi32>,
        %get3A_546 = vector.shape_cast %get3A_545 : vector<1x16xi32> to vector<16xi32>
        %swap3A_547 = arith.constant 0 : index
        %swap3A_548 = tpu.vector_load %arg6[%swap3A_547] {strides = array<i32>} : memref<80xi32, #tpu.memory_space<vmem>>, vector<16xi32>,
        %swap3A_549 = vector.shape_cast %swap3A_548 : vector<16xi32> to vector<16xi32>
        %swap3A_550 = vector.shape_cast %get3A_546 : vector<16xi32> to vector<16xi32>
        tpu.vector_store %arg6[%swap3A_547], %swap3A_550 {strides = array<i32>} : memref<80xi32, #tpu.memory_space<vmem>>, vector<16xi32>,
        %mul3A_551 = arith.constant 80 : i32
        %mul3A_552 = arith.muli %add3A_536, %mul3A_551 : i32
        %add3A_553 = arith.addi %multiple_of3A_14, %mul3A_552 : i32
        %add3A_554 = arith.constant 16 : i32
        %add3A_555 = arith.addi %add3A_553, %add3A_554 : i32
        %get3A_556 = arith.constant 0 : i32
        %get3A_557 = arith.index_cast %get3A_556 : i32 to index
        %get3A_558 = arith.index_cast %add3A_555 : i32 to index
        %get3A_559 = tpu.vector_load %arg5[%get3A_557, %get3A_558] {strides = array<i32>} : memref<2x10240xi32, #tpu.memory_space<vmem>>, vector<1x16xi32>,
        %get3A_560 = vector.shape_cast %get3A_559 : vector<1x16xi32> to vector<16xi32>
        %swap3A_561 = arith.constant 16 : index
        %swap3A_562 = tpu.vector_load %arg6[%swap3A_561] {strides = array<i32>} : memref<80xi32, #tpu.memory_space<vmem>>, vector<16xi32>,
        %swap3A_563 = vector.shape_cast %swap3A_562 : vector<16xi32> to vector<16xi32>
        %swap3A_564 = vector.shape_cast %get3A_560 : vector<16xi32> to vector<16xi32>
        tpu.vector_store %arg6[%swap3A_561], %swap3A_564 {strides = array<i32>} : memref<80xi32, #tpu.memory_space<vmem>>, vector<16xi32>,
        %mul3A_565 = arith.constant 80 : i32
        %mul3A_566 = arith.muli %add3A_536, %mul3A_565 : i32
        %add3A_567 = arith.addi %multiple_of3A_14, %mul3A_566 : i32
        %add3A_568 = arith.constant 32 : i32
        %add3A_569 = arith.addi %add3A_567, %add3A_568 : i32
        %get3A_570 = arith.constant 0 : i32
        %get3A_571 = arith.index_cast %get3A_570 : i32 to index
        %get3A_572 = arith.index_cast %add3A_569 : i32 to index
        %get3A_573 = tpu.vector_load %arg5[%get3A_571, %get3A_572] {strides = array<i32>} : memref<2x10240xi32, #tpu.memory_space<vmem>>, vector<1x16xi32>,
        %get3A_574 = vector.shape_cast %get3A_573 : vector<1x16xi32> to vector<16xi32>
        %swap3A_575 = arith.constant 32 : index
        %swap3A_576 = tpu.vector_load %arg6[%swap3A_575] {strides = array<i32>} : memref<80xi32, #tpu.memory_space<vmem>>, vector<16xi32>,
        %swap3A_577 = vector.shape_cast %swap3A_576 : vector<16xi32> to vector<16xi32>
        %swap3A_578 = vector.shape_cast %get3A_574 : vector<16xi32> to vector<16xi32>
        tpu.vector_store %arg6[%swap3A_575], %swap3A_578 {strides = array<i32>} : memref<80xi32, #tpu.memory_space<vmem>>, vector<16xi32>,
        %mul3A_579 = arith.constant 80 : i32
        %mul3A_580 = arith.muli %add3A_536, %mul3A_579 : i32
        %add3A_581 = arith.addi %multiple_of3A_14, %mul3A_580 : i32
        %add3A_582 = arith.constant 48 : i32
        %add3A_583 = arith.addi %add3A_581, %add3A_582 : i32
        %get3A_584 = arith.constant 0 : i32
        %get3A_585 = arith.index_cast %get3A_584 : i32 to index
        %get3A_586 = arith.index_cast %add3A_583 : i32 to index
        %get3A_587 = tpu.vector_load %arg5[%get3A_585, %get3A_586] {strides = array<i32>} : memref<2x10240xi32, #tpu.memory_space<vmem>>, vector<1x16xi32>,
        %get3A_588 = vector.shape_cast %get3A_587 : vector<1x16xi32> to vector<16xi32>
        %swap3A_589 = arith.constant 48 : index
        %swap3A_590 = tpu.vector_load %arg6[%swap3A_589] {strides = array<i32>} : memref<80xi32, #tpu.memory_space<vmem>>, vector<16xi32>,
        %swap3A_591 = vector.shape_cast %swap3A_590 : vector<16xi32> to vector<16xi32>
        %swap3A_592 = vector.shape_cast %get3A_588 : vector<16xi32> to vector<16xi32>
        tpu.vector_store %arg6[%swap3A_589], %swap3A_592 {strides = array<i32>} : memref<80xi32, #tpu.memory_space<vmem>>, vector<16xi32>,
        %mul3A_593 = arith.constant 80 : i32
        %mul3A_594 = arith.muli %add3A_536, %mul3A_593 : i32
        %add3A_595 = arith.addi %multiple_of3A_14, %mul3A_594 : i32
        %add3A_596 = arith.constant 64 : i32
        %add3A_597 = arith.addi %add3A_595, %add3A_596 : i32
        %get3A_598 = arith.constant 0 : i32
        %get3A_599 = arith.index_cast %get3A_598 : i32 to index
        %get3A_600 = arith.index_cast %add3A_597 : i32 to index
        %get3A_601 = tpu.vector_load %arg5[%get3A_599, %get3A_600] {strides = array<i32>} : memref<2x10240xi32, #tpu.memory_space<vmem>>, vector<1x16xi32>,
        %get3A_602 = vector.shape_cast %get3A_601 : vector<1x16xi32> to vector<16xi32>
        %swap3A_603 = arith.constant 64 : index
        %swap3A_604 = tpu.vector_load %arg6[%swap3A_603] {strides = array<i32>} : memref<80xi32, #tpu.memory_space<vmem>>, vector<16xi32>,
        %swap3A_605 = vector.shape_cast %swap3A_604 : vector<16xi32> to vector<16xi32>
        %swap3A_606 = vector.shape_cast %get3A_602 : vector<16xi32> to vector<16xi32>
        tpu.vector_store %arg6[%swap3A_603], %swap3A_606 {strides = array<i32>} : memref<80xi32, #tpu.memory_space<vmem>>, vector<16xi32>,
        %dma_start3A_607 = arith.constant 0 : i32
        %dma_start3A_608 = arith.constant 0 : i32
        %dma_start3A_609 = tpu.memref_slice %arg2[%dma_start3A_607, %dma_start3A_608] : memref<10000x128xf32, #tpu.memory_space<hbm>> -> memref<10000x128xf32, #tpu.memory_space<hbm>>
        tpu.enqueue_indirect_dma source(%dma_start3A_609 : memref<10000x128xf32, #tpu.memory_space<hbm>>) target(%arg10 : memref<80x128xf32, #tpu.memory_space<vmem>>) offsets(%arg6 : memref<80xi32, #tpu.memory_space<vmem>>) semaphore(%arg13 : memref<!tpu.dma_semaphore, #tpu.memory_space<semaphore_mem>>)
      } else {
      }
      %dma_wait3A_453 = arith.constant 0 : i32
      %dma_wait3A_454 = arith.constant 0 : i32
      %dma_wait3A_455 = tpu.memref_slice %arg2[%dma_wait3A_453, %dma_wait3A_454] : memref<10000x128xf32, #tpu.memory_space<hbm>> -> memref<10000x128xf32, #tpu.memory_space<hbm>>
      tpu.wait_indirect_dma semaphore(%arg14 : memref<!tpu.dma_semaphore, #tpu.memory_space<semaphore_mem>>) src(%dma_wait3A_455 : memref<10000x128xf32, #tpu.memory_space<hbm>>) dst(%arg11 : memref<80x128xf32, #tpu.memory_space<vmem>>)
      %add3A_456 = arith.constant 1 : i32
      %add3A_457 = arith.addi %mul3A_374, %add3A_456 : i32
      %mul3A_458 = arith.constant 80 : i32
      %mul3A_459 = arith.muli %add3A_457, %mul3A_458 : i32
      %add3A_460 = arith.addi %multiple_of3A_14, %mul3A_459 : i32
      %add3A_461 = arith.constant 0 : i32
      %add3A_462 = arith.addi %add3A_460, %add3A_461 : i32
      %get3A_463 = arith.constant 1 : i32
      %get3A_464 = arith.index_cast %get3A_463 : i32 to index
      %get3A_465 = arith.index_cast %add3A_462 : i32 to index
      %get3A_466 = tpu.vector_load %arg5[%get3A_464, %get3A_465] {strides = array<i32>} : memref<2x10240xi32, #tpu.memory_space<vmem>>, vector<1x16xi32>,
      %get3A_467 = vector.shape_cast %get3A_466 : vector<1x16xi32> to vector<16xi32>
      %swap3A_468 = arith.constant 0 : index
      %swap3A_469 = tpu.vector_load %arg9[%swap3A_468] {strides = array<i32>} : memref<80xi32, #tpu.memory_space<vmem>>, vector<16xi32>,
      %swap3A_470 = vector.shape_cast %swap3A_469 : vector<16xi32> to vector<16xi32>
      %swap3A_471 = vector.shape_cast %get3A_467 : vector<16xi32> to vector<16xi32>
      tpu.vector_store %arg9[%swap3A_468], %swap3A_471 {strides = array<i32>} : memref<80xi32, #tpu.memory_space<vmem>>, vector<16xi32>,
      %mul3A_472 = arith.constant 80 : i32
      %mul3A_473 = arith.muli %add3A_457, %mul3A_472 : i32
      %add3A_474 = arith.addi %multiple_of3A_14, %mul3A_473 : i32
      %add3A_475 = arith.constant 16 : i32
      %add3A_476 = arith.addi %add3A_474, %add3A_475 : i32
      %get3A_477 = arith.constant 1 : i32
      %get3A_478 = arith.index_cast %get3A_477 : i32 to index
      %get3A_479 = arith.index_cast %add3A_476 : i32 to index
      %get3A_480 = tpu.vector_load %arg5[%get3A_478, %get3A_479] {strides = array<i32>} : memref<2x10240xi32, #tpu.memory_space<vmem>>, vector<1x16xi32>,
      %get3A_481 = vector.shape_cast %get3A_480 : vector<1x16xi32> to vector<16xi32>
      %swap3A_482 = arith.constant 16 : index
      %swap3A_483 = tpu.vector_load %arg9[%swap3A_482] {strides = array<i32>} : memref<80xi32, #tpu.memory_space<vmem>>, vector<16xi32>,
      %swap3A_484 = vector.shape_cast %swap3A_483 : vector<16xi32> to vector<16xi32>
      %swap3A_485 = vector.shape_cast %get3A_481 : vector<16xi32> to vector<16xi32>
      tpu.vector_store %arg9[%swap3A_482], %swap3A_485 {strides = array<i32>} : memref<80xi32, #tpu.memory_space<vmem>>, vector<16xi32>,
      %mul3A_486 = arith.constant 80 : i32
      %mul3A_487 = arith.muli %add3A_457, %mul3A_486 : i32
      %add3A_488 = arith.addi %multiple_of3A_14, %mul3A_487 : i32
      %add3A_489 = arith.constant 32 : i32
      %add3A_490 = arith.addi %add3A_488, %add3A_489 : i32
      %get3A_491 = arith.constant 1 : i32
      %get3A_492 = arith.index_cast %get3A_491 : i32 to index
      %get3A_493 = arith.index_cast %add3A_490 : i32 to index
      %get3A_494 = tpu.vector_load %arg5[%get3A_492, %get3A_493] {strides = array<i32>} : memref<2x10240xi32, #tpu.memory_space<vmem>>, vector<1x16xi32>,
      %get3A_495 = vector.shape_cast %get3A_494 : vector<1x16xi32> to vector<16xi32>
      %swap3A_496 = arith.constant 32 : index
      %swap3A_497 = tpu.vector_load %arg9[%swap3A_496] {strides = array<i32>} : memref<80xi32, #tpu.memory_space<vmem>>, vector<16xi32>,
      %swap3A_498 = vector.shape_cast %swap3A_497 : vector<16xi32> to vector<16xi32>
      %swap3A_499 = vector.shape_cast %get3A_495 : vector<16xi32> to vector<16xi32>
      tpu.vector_store %arg9[%swap3A_496], %swap3A_499 {strides = array<i32>} : memref<80xi32, #tpu.memory_space<vmem>>, vector<16xi32>,
      %mul3A_500 = arith.constant 80 : i32
      %mul3A_501 = arith.muli %add3A_457, %mul3A_500 : i32
      %add3A_502 = arith.addi %multiple_of3A_14, %mul3A_501 : i32
      %add3A_503 = arith.constant 48 : i32
      %add3A_504 = arith.addi %add3A_502, %add3A_503 : i32
      %get3A_505 = arith.constant 1 : i32
      %get3A_506 = arith.index_cast %get3A_505 : i32 to index
      %get3A_507 = arith.index_cast %add3A_504 : i32 to index
      %get3A_508 = tpu.vector_load %arg5[%get3A_506, %get3A_507] {strides = array<i32>} : memref<2x10240xi32, #tpu.memory_space<vmem>>, vector<1x16xi32>,
      %get3A_509 = vector.shape_cast %get3A_508 : vector<1x16xi32> to vector<16xi32>
      %swap3A_510 = arith.constant 48 : index
      %swap3A_511 = tpu.vector_load %arg9[%swap3A_510] {strides = array<i32>} : memref<80xi32, #tpu.memory_space<vmem>>, vector<16xi32>,
      %swap3A_512 = vector.shape_cast %swap3A_511 : vector<16xi32> to vector<16xi32>
      %swap3A_513 = vector.shape_cast %get3A_509 : vector<16xi32> to vector<16xi32>
      tpu.vector_store %arg9[%swap3A_510], %swap3A_513 {strides = array<i32>} : memref<80xi32, #tpu.memory_space<vmem>>, vector<16xi32>,
      %mul3A_514 = arith.constant 80 : i32
      %mul3A_515 = arith.muli %add3A_457, %mul3A_514 : i32
      %add3A_516 = arith.addi %multiple_of3A_14, %mul3A_515 : i32
      %add3A_517 = arith.constant 64 : i32
      %add3A_518 = arith.addi %add3A_516, %add3A_517 : i32
      %get3A_519 = arith.constant 1 : i32
      %get3A_520 = arith.index_cast %get3A_519 : i32 to index
      %get3A_521 = arith.index_cast %add3A_518 : i32 to index
      %get3A_522 = tpu.vector_load %arg5[%get3A_520, %get3A_521] {strides = array<i32>} : memref<2x10240xi32, #tpu.memory_space<vmem>>, vector<1x16xi32>,
      %get3A_523 = vector.shape_cast %get3A_522 : vector<1x16xi32> to vector<16xi32>
      %swap3A_524 = arith.constant 64 : index
      %swap3A_525 = tpu.vector_load %arg9[%swap3A_524] {strides = array<i32>} : memref<80xi32, #tpu.memory_space<vmem>>, vector<16xi32>,
      %swap3A_526 = vector.shape_cast %swap3A_525 : vector<16xi32> to vector<16xi32>
      %swap3A_527 = vector.shape_cast %get3A_523 : vector<16xi32> to vector<16xi32>
      tpu.vector_store %arg9[%swap3A_524], %swap3A_527 {strides = array<i32>} : memref<80xi32, #tpu.memory_space<vmem>>, vector<16xi32>,
      "tpu.region"() ({
        %run_scoped3A = tpu.sem_alloc : memref<!tpu.dma_semaphore, #tpu.memory_space<semaphore_mem>>
        %dma_start3A_535 = arith.constant 0 : i32
        %dma_start3A_536 = arith.constant 0 : i32
        %dma_start3A_537 = tpu.memref_slice %arg12[%dma_start3A_535, %dma_start3A_536] : memref<10112x128xf32, #tpu.memory_space<vmem_shared>> -> memref<10112x128xf32, #tpu.memory_space<vmem_shared>>
        tpu.enqueue_indirect_dma source(%arg11 : memref<80x128xf32, #tpu.memory_space<vmem>>) target(%dma_start3A_537 : memref<10112x128xf32, #tpu.memory_space<vmem_shared>>) offsets(%arg9 : memref<80xi32, #tpu.memory_space<vmem>>) semaphore(%run_scoped3A : memref<!tpu.dma_semaphore, #tpu.memory_space<semaphore_mem>>) {add = true}
        %dma_wait3A_538 = arith.constant 0 : i32
        %dma_wait3A_539 = arith.constant 0 : i32
        %dma_wait3A_540 = tpu.memref_slice %arg12[%dma_wait3A_538, %dma_wait3A_539] : memref<10112x128xf32, #tpu.memory_space<vmem_shared>> -> memref<10112x128xf32, #tpu.memory_space<vmem_shared>>
        tpu.wait_indirect_dma semaphore(%run_scoped3A : memref<!tpu.dma_semaphore, #tpu.memory_space<semaphore_mem>>) src(%arg11 : memref<80x128xf32, #tpu.memory_space<vmem>>) dst(%dma_wait3A_540 : memref<10112x128xf32, #tpu.memory_space<vmem_shared>>)
        tpu.yield
      }) : () -> ()
      %add3A_528 = arith.constant 3 : i32
      %add3A_529 = arith.addi %mul3A_374, %add3A_528 : i32
      %lt3A_530 = arith.constant 125 : i32
      %lt3A_531 = arith.cmpi slt, %add3A_529, %lt3A_530 : i32
      %convert_element_type3A_532 = arith.extui %lt3A_531 : i1 to i32
      %cond3A_533 = arith.constant 0 : i32
      %cond3A_534 = arith.cmpi ne, %convert_element_type3A_532, %cond3A_533 : i32
      scf.if %cond3A_534 {
        %add3A_535 = arith.constant 3 : i32
        %add3A_536 = arith.addi %mul3A_374, %add3A_535 : i32
        %mul3A_537 = arith.constant 80 : i32
        %mul3A_538 = arith.muli %add3A_536, %mul3A_537 : i32
        %add3A_539 = arith.addi %multiple_of3A_14, %mul3A_538 : i32
        %add3A_540 = arith.constant 0 : i32
        %add3A_541 = arith.addi %add3A_539, %add3A_540 : i32
        %get3A_542 = arith.constant 0 : i32
        %get3A_543 = arith.index_cast %get3A_542 : i32 to index
        %get3A_544 = arith.index_cast %add3A_541 : i32 to index
        %get3A_545 = tpu.vector_load %arg5[%get3A_543, %get3A_544] {strides = array<i32>} : memref<2x10240xi32, #tpu.memory_space<vmem>>, vector<1x16xi32>,
        %get3A_546 = vector.shape_cast %get3A_545 : vector<1x16xi32> to vector<16xi32>
        %swap3A_547 = arith.constant 0 : index
        %swap3A_548 = tpu.vector_load %arg7[%swap3A_547] {strides = array<i32>} : memref<80xi32, #tpu.memory_space<vmem>>, vector<16xi32>,
        %swap3A_549 = vector.shape_cast %swap3A_548 : vector<16xi32> to vector<16xi32>
        %swap3A_550 = vector.shape_cast %get3A_546 : vector<16xi32> to vector<16xi32>
        tpu.vector_store %arg7[%swap3A_547], %swap3A_550 {strides = array<i32>} : memref<80xi32, #tpu.memory_space<vmem>>, vector<16xi32>,
        %mul3A_551 = arith.constant 80 : i32
        %mul3A_552 = arith.muli %add3A_536, %mul3A_551 : i32
        %add3A_553 = arith.addi %multiple_of3A_14, %mul3A_552 : i32
        %add3A_554 = arith.constant 16 : i32
        %add3A_555 = arith.addi %add3A_553, %add3A_554 : i32
        %get3A_556 = arith.constant 0 : i32
        %get3A_557 = arith.index_cast %get3A_556 : i32 to index
        %get3A_558 = arith.index_cast %add3A_555 : i32 to index
        %get3A_559 = tpu.vector_load %arg5[%get3A_557, %get3A_558] {strides = array<i32>} : memref<2x10240xi32, #tpu.memory_space<vmem>>, vector<1x16xi32>,
        %get3A_560 = vector.shape_cast %get3A_559 : vector<1x16xi32> to vector<16xi32>
        %swap3A_561 = arith.constant 16 : index
        %swap3A_562 = tpu.vector_load %arg7[%swap3A_561] {strides = array<i32>} : memref<80xi32, #tpu.memory_space<vmem>>, vector<16xi32>,
        %swap3A_563 = vector.shape_cast %swap3A_562 : vector<16xi32> to vector<16xi32>
        %swap3A_564 = vector.shape_cast %get3A_560 : vector<16xi32> to vector<16xi32>
        tpu.vector_store %arg7[%swap3A_561], %swap3A_564 {strides = array<i32>} : memref<80xi32, #tpu.memory_space<vmem>>, vector<16xi32>,
        %mul3A_565 = arith.constant 80 : i32
        %mul3A_566 = arith.muli %add3A_536, %mul3A_565 : i32
        %add3A_567 = arith.addi %multiple_of3A_14, %mul3A_566 : i32
        %add3A_568 = arith.constant 32 : i32
        %add3A_569 = arith.addi %add3A_567, %add3A_568 : i32
        %get3A_570 = arith.constant 0 : i32
        %get3A_571 = arith.index_cast %get3A_570 : i32 to index
        %get3A_572 = arith.index_cast %add3A_569 : i32 to index
        %get3A_573 = tpu.vector_load %arg5[%get3A_571, %get3A_572] {strides = array<i32>} : memref<2x10240xi32, #tpu.memory_space<vmem>>, vector<1x16xi32>,
        %get3A_574 = vector.shape_cast %get3A_573 : vector<1x16xi32> to vector<16xi32>
        %swap3A_575 = arith.constant 32 : index
        %swap3A_576 = tpu.vector_load %arg7[%swap3A_575] {strides = array<i32>} : memref<80xi32, #tpu.memory_space<vmem>>, vector<16xi32>,
        %swap3A_577 = vector.shape_cast %swap3A_576 : vector<16xi32> to vector<16xi32>
        %swap3A_578 = vector.shape_cast %get3A_574 : vector<16xi32> to vector<16xi32>
        tpu.vector_store %arg7[%swap3A_575], %swap3A_578 {strides = array<i32>} : memref<80xi32, #tpu.memory_space<vmem>>, vector<16xi32>,
        %mul3A_579 = arith.constant 80 : i32
        %mul3A_580 = arith.muli %add3A_536, %mul3A_579 : i32
        %add3A_581 = arith.addi %multiple_of3A_14, %mul3A_580 : i32
        %add3A_582 = arith.constant 48 : i32
        %add3A_583 = arith.addi %add3A_581, %add3A_582 : i32
        %get3A_584 = arith.constant 0 : i32
        %get3A_585 = arith.index_cast %get3A_584 : i32 to index
        %get3A_586 = arith.index_cast %add3A_583 : i32 to index
        %get3A_587 = tpu.vector_load %arg5[%get3A_585, %get3A_586] {strides = array<i32>} : memref<2x10240xi32, #tpu.memory_space<vmem>>, vector<1x16xi32>,
        %get3A_588 = vector.shape_cast %get3A_587 : vector<1x16xi32> to vector<16xi32>
        %swap3A_589 = arith.constant 48 : index
        %swap3A_590 = tpu.vector_load %arg7[%swap3A_589] {strides = array<i32>} : memref<80xi32, #tpu.memory_space<vmem>>, vector<16xi32>,
        %swap3A_591 = vector.shape_cast %swap3A_590 : vector<16xi32> to vector<16xi32>
        %swap3A_592 = vector.shape_cast %get3A_588 : vector<16xi32> to vector<16xi32>
        tpu.vector_store %arg7[%swap3A_589], %swap3A_592 {strides = array<i32>} : memref<80xi32, #tpu.memory_space<vmem>>, vector<16xi32>,
        %mul3A_593 = arith.constant 80 : i32
        %mul3A_594 = arith.muli %add3A_536, %mul3A_593 : i32
        %add3A_595 = arith.addi %multiple_of3A_14, %mul3A_594 : i32
        %add3A_596 = arith.constant 64 : i32
        %add3A_597 = arith.addi %add3A_595, %add3A_596 : i32
        %get3A_598 = arith.constant 0 : i32
        %get3A_599 = arith.index_cast %get3A_598 : i32 to index
        %get3A_600 = arith.index_cast %add3A_597 : i32 to index
        %get3A_601 = tpu.vector_load %arg5[%get3A_599, %get3A_600] {strides = array<i32>} : memref<2x10240xi32, #tpu.memory_space<vmem>>, vector<1x16xi32>,
        %get3A_602 = vector.shape_cast %get3A_601 : vector<1x16xi32> to vector<16xi32>
        %swap3A_603 = arith.constant 64 : index
        %swap3A_604 = tpu.vector_load %arg7[%swap3A_603] {strides = array<i32>} : memref<80xi32, #tpu.memory_space<vmem>>, vector<16xi32>,
        %swap3A_605 = vector.shape_cast %swap3A_604 : vector<16xi32> to vector<16xi32>
        %swap3A_606 = vector.shape_cast %get3A_602 : vector<16xi32> to vector<16xi32>
        tpu.vector_store %arg7[%swap3A_603], %swap3A_606 {strides = array<i32>} : memref<80xi32, #tpu.memory_space<vmem>>, vector<16xi32>,
        %dma_start3A_607 = arith.constant 0 : i32
        %dma_start3A_608 = arith.constant 0 : i32
        %dma_start3A_609 = tpu.memref_slice %arg2[%dma_start3A_607, %dma_start3A_608] : memref<10000x128xf32, #tpu.memory_space<hbm>> -> memref<10000x128xf32, #tpu.memory_space<hbm>>
        tpu.enqueue_indirect_dma source(%dma_start3A_609 : memref<10000x128xf32, #tpu.memory_space<hbm>>) target(%arg11 : memref<80x128xf32, #tpu.memory_space<vmem>>) offsets(%arg7 : memref<80xi32, #tpu.memory_space<vmem>>) semaphore(%arg14 : memref<!tpu.dma_semaphore, #tpu.memory_space<semaphore_mem>>)
      } else {
      }
    }
    %scan3A_298 = arith.constant 62 : i32
    %dma_wait3A_299 = arith.constant 0 : i32
    %dma_wait3A_300 = arith.constant 0 : i32
    %dma_wait3A_301 = tpu.memref_slice %arg2[%dma_wait3A_299, %dma_wait3A_300] : memref<10000x128xf32, #tpu.memory_space<hbm>> -> memref<10000x128xf32, #tpu.memory_space<hbm>>
    tpu.wait_indirect_dma semaphore(%arg13 : memref<!tpu.dma_semaphore, #tpu.memory_space<semaphore_mem>>) src(%dma_wait3A_301 : memref<10000x128xf32, #tpu.memory_space<hbm>>) dst(%arg10 : memref<80x128xf32, #tpu.memory_space<vmem>>)
    %add3A_302 = arith.constant 9920 : i32
    %add3A_303 = arith.addi %multiple_of3A_14, %add3A_302 : i32
    %add3A_304 = arith.constant 0 : i32
    %add3A_305 = arith.addi %add3A_303, %add3A_304 : i32
    %get3A_306 = arith.constant 1 : i32
    %get3A_307 = arith.index_cast %get3A_306 : i32 to index
    %get3A_308 = arith.index_cast %add3A_305 : i32 to index
    %get3A_309 = tpu.vector_load %arg5[%get3A_307, %get3A_308] {strides = array<i32>} : memref<2x10240xi32, #tpu.memory_space<vmem>>, vector<1x16xi32>,
    %get3A_310 = vector.shape_cast %get3A_309 : vector<1x16xi32> to vector<16xi32>
    %swap3A_311 = arith.constant 0 : index
    %swap3A_312 = tpu.vector_load %arg8[%swap3A_311] {strides = array<i32>} : memref<80xi32, #tpu.memory_space<vmem>>, vector<16xi32>,
    %swap3A_313 = vector.shape_cast %swap3A_312 : vector<16xi32> to vector<16xi32>
    %swap3A_314 = vector.shape_cast %get3A_310 : vector<16xi32> to vector<16xi32>
    tpu.vector_store %arg8[%swap3A_311], %swap3A_314 {strides = array<i32>} : memref<80xi32, #tpu.memory_space<vmem>>, vector<16xi32>,
    %add3A_315 = arith.constant 9920 : i32
    %add3A_316 = arith.addi %multiple_of3A_14, %add3A_315 : i32
    %add3A_317 = arith.constant 16 : i32
    %add3A_318 = arith.addi %add3A_316, %add3A_317 : i32
    %get3A_319 = arith.constant 1 : i32
    %get3A_320 = arith.index_cast %get3A_319 : i32 to index
    %get3A_321 = arith.index_cast %add3A_318 : i32 to index
    %get3A_322 = tpu.vector_load %arg5[%get3A_320, %get3A_321] {strides = array<i32>} : memref<2x10240xi32, #tpu.memory_space<vmem>>, vector<1x16xi32>,
    %get3A_323 = vector.shape_cast %get3A_322 : vector<1x16xi32> to vector<16xi32>
    %swap3A_324 = arith.constant 16 : index
    %swap3A_325 = tpu.vector_load %arg8[%swap3A_324] {strides = array<i32>} : memref<80xi32, #tpu.memory_space<vmem>>, vector<16xi32>,
    %swap3A_326 = vector.shape_cast %swap3A_325 : vector<16xi32> to vector<16xi32>
    %swap3A_327 = vector.shape_cast %get3A_323 : vector<16xi32> to vector<16xi32>
    tpu.vector_store %arg8[%swap3A_324], %swap3A_327 {strides = array<i32>} : memref<80xi32, #tpu.memory_space<vmem>>, vector<16xi32>,
    %add3A_328 = arith.constant 9920 : i32
    %add3A_329 = arith.addi %multiple_of3A_14, %add3A_328 : i32
    %add3A_330 = arith.constant 32 : i32
    %add3A_331 = arith.addi %add3A_329, %add3A_330 : i32
    %get3A_332 = arith.constant 1 : i32
    %get3A_333 = arith.index_cast %get3A_332 : i32 to index
    %get3A_334 = arith.index_cast %add3A_331 : i32 to index
    %get3A_335 = tpu.vector_load %arg5[%get3A_333, %get3A_334] {strides = array<i32>} : memref<2x10240xi32, #tpu.memory_space<vmem>>, vector<1x16xi32>,
    %get3A_336 = vector.shape_cast %get3A_335 : vector<1x16xi32> to vector<16xi32>
    %swap3A_337 = arith.constant 32 : index
    %swap3A_338 = tpu.vector_load %arg8[%swap3A_337] {strides = array<i32>} : memref<80xi32, #tpu.memory_space<vmem>>, vector<16xi32>,
    %swap3A_339 = vector.shape_cast %swap3A_338 : vector<16xi32> to vector<16xi32>
    %swap3A_340 = vector.shape_cast %get3A_336 : vector<16xi32> to vector<16xi32>
    tpu.vector_store %arg8[%swap3A_337], %swap3A_340 {strides = array<i32>} : memref<80xi32, #tpu.memory_space<vmem>>, vector<16xi32>,
    %add3A_341 = arith.constant 9920 : i32
    %add3A_342 = arith.addi %multiple_of3A_14, %add3A_341 : i32
    %add3A_343 = arith.constant 48 : i32
    %add3A_344 = arith.addi %add3A_342, %add3A_343 : i32
    %get3A_345 = arith.constant 1 : i32
    %get3A_346 = arith.index_cast %get3A_345 : i32 to index
    %get3A_347 = arith.index_cast %add3A_344 : i32 to index
    %get3A_348 = tpu.vector_load %arg5[%get3A_346, %get3A_347] {strides = array<i32>} : memref<2x10240xi32, #tpu.memory_space<vmem>>, vector<1x16xi32>,
    %get3A_349 = vector.shape_cast %get3A_348 : vector<1x16xi32> to vector<16xi32>
    %swap3A_350 = arith.constant 48 : index
    %swap3A_351 = tpu.vector_load %arg8[%swap3A_350] {strides = array<i32>} : memref<80xi32, #tpu.memory_space<vmem>>, vector<16xi32>,
    %swap3A_352 = vector.shape_cast %swap3A_351 : vector<16xi32> to vector<16xi32>
    %swap3A_353 = vector.shape_cast %get3A_349 : vector<16xi32> to vector<16xi32>
    tpu.vector_store %arg8[%swap3A_350], %swap3A_353 {strides = array<i32>} : memref<80xi32, #tpu.memory_space<vmem>>, vector<16xi32>,
    %add3A_354 = arith.constant 9920 : i32
    %add3A_355 = arith.addi %multiple_of3A_14, %add3A_354 : i32
    %add3A_356 = arith.constant 64 : i32
    %add3A_357 = arith.addi %add3A_355, %add3A_356 : i32
    %get3A_358 = arith.constant 1 : i32
    %get3A_359 = arith.index_cast %get3A_358 : i32 to index
    %get3A_360 = arith.index_cast %add3A_357 : i32 to index
    %get3A_361 = tpu.vector_load %arg5[%get3A_359, %get3A_360] {strides = array<i32>} : memref<2x10240xi32, #tpu.memory_space<vmem>>, vector<1x16xi32>,
    %get3A_362 = vector.shape_cast %get3A_361 : vector<1x16xi32> to vector<16xi32>
    %swap3A_363 = arith.constant 64 : index
    %swap3A_364 = tpu.vector_load %arg8[%swap3A_363] {strides = array<i32>} : memref<80xi32, #tpu.memory_space<vmem>>, vector<16xi32>,
    %swap3A_365 = vector.shape_cast %swap3A_364 : vector<16xi32> to vector<16xi32>
    %swap3A_366 = vector.shape_cast %get3A_362 : vector<16xi32> to vector<16xi32>
    tpu.vector_store %arg8[%swap3A_363], %swap3A_366 {strides = array<i32>} : memref<80xi32, #tpu.memory_space<vmem>>, vector<16xi32>,
    "tpu.region"() ({
      %run_scoped3A = tpu.sem_alloc : memref<!tpu.dma_semaphore, #tpu.memory_space<semaphore_mem>>
      %dma_start3A_372 = arith.constant 0 : i32
      %dma_start3A_373 = arith.constant 0 : i32
      %dma_start3A_374 = tpu.memref_slice %arg12[%dma_start3A_372, %dma_start3A_373] : memref<10112x128xf32, #tpu.memory_space<vmem_shared>> -> memref<10112x128xf32, #tpu.memory_space<vmem_shared>>
      tpu.enqueue_indirect_dma source(%arg10 : memref<80x128xf32, #tpu.memory_space<vmem>>) target(%dma_start3A_374 : memref<10112x128xf32, #tpu.memory_space<vmem_shared>>) offsets(%arg8 : memref<80xi32, #tpu.memory_space<vmem>>) semaphore(%run_scoped3A : memref<!tpu.dma_semaphore, #tpu.memory_space<semaphore_mem>>) {add = true}
      %dma_wait3A_375 = arith.constant 0 : i32
      %dma_wait3A_376 = arith.constant 0 : i32
      %dma_wait3A_377 = tpu.memref_slice %arg12[%dma_wait3A_375, %dma_wait3A_376] : memref<10112x128xf32, #tpu.memory_space<vmem_shared>> -> memref<10112x128xf32, #tpu.memory_space<vmem_shared>>
      tpu.wait_indirect_dma semaphore(%run_scoped3A : memref<!tpu.dma_semaphore, #tpu.memory_space<semaphore_mem>>) src(%arg10 : memref<80x128xf32, #tpu.memory_space<vmem>>) dst(%dma_wait3A_377 : memref<10112x128xf32, #tpu.memory_space<vmem_shared>>)
      tpu.yield
    }) : () -> ()
    %barrier3A_367 = arith.constant 0 : index
    tpu.barrier barrier_id(%barrier3A_367)
    %mul3A_368 = arith.constant 632 : i32
    %mul3A_369 = arith.muli %arg1, %mul3A_368 : i32
    %mul3A_370 = arith.constant 632 : i32
    %mul3A_371 = arith.muli %arg1, %mul3A_370 : i32
    "tpu.region"() ({
      %run_scoped3A = tpu.sem_alloc : memref<!tpu.dma_semaphore, #tpu.memory_space<semaphore_mem>>
      %dma_start3A_372 = arith.constant 0 : i32
      %dma_start3A_373 = tpu.memref_slice %arg4[%arg0, %mul3A_371, %dma_start3A_372] : memref<2x10112x128xf32, #tpu.memory_space<hbm>> -> memref<1x632x128xf32, #tpu.memory_space<hbm>>
      %dma_start3A_374 = tpu.memref_squeeze %dma_start3A_373 : memref<1x632x128xf32, #tpu.memory_space<hbm>> -> memref<632x128xf32, #tpu.memory_space<hbm>>
      %dma_start3A_375 = arith.constant 0 : i32
      %dma_start3A_376 = tpu.memref_slice %arg12[%mul3A_369, %dma_start3A_375] : memref<10112x128xf32, #tpu.memory_space<vmem_shared>> -> memref<632x128xf32, #tpu.memory_space<vmem_shared>>
      tpu.enqueue_dma source(%dma_start3A_376 : memref<632x128xf32, #tpu.memory_space<vmem_shared>>) target(%dma_start3A_374 : memref<632x128xf32, #tpu.memory_space<hbm>>) target_semaphore(%run_scoped3A : memref<!tpu.dma_semaphore, #tpu.memory_space<semaphore_mem>>)
      %dma_wait3A_377 = arith.constant 0 : i32
      %dma_wait3A_378 = tpu.memref_slice %arg4[%arg0, %mul3A_371, %dma_wait3A_377] : memref<2x10112x128xf32, #tpu.memory_space<hbm>> -> memref<1x632x128xf32, #tpu.memory_space<hbm>>
      %dma_wait3A_379 = tpu.memref_squeeze %dma_wait3A_378 : memref<1x632x128xf32, #tpu.memory_space<hbm>> -> memref<632x128xf32, #tpu.memory_space<hbm>>
      %dma_wait3A_380 = arith.constant 0 : i32
      %dma_wait3A_381 = tpu.memref_slice %arg12[%mul3A_369, %dma_wait3A_380] : memref<10112x128xf32, #tpu.memory_space<vmem_shared>> -> memref<632x128xf32, #tpu.memory_space<vmem_shared>>
      tpu.wait_dma2 semaphore(%run_scoped3A : memref<!tpu.dma_semaphore, #tpu.memory_space<semaphore_mem>>) src(%dma_wait3A_381 : memref<632x128xf32, #tpu.memory_space<vmem_shared>>) dst(%dma_wait3A_379 : memref<632x128xf32, #tpu.memory_space<hbm>>)
      tpu.yield
    }) : () -> ()
    return
  }
}

module attributes {stable_mosaic.version = 14 : i64} {
  func.func @_tc_mlp_body(%arg0: memref<1xf32, #tpu.memory_space<smem>>, %arg1: memref<10000x128xf32, #tpu.memory_space<vmem>>, %arg2: memref<2x10112x128xf32, #tpu.memory_space<vmem>>, %arg3: memref<128x128xf32, #tpu.memory_space<vmem>>, %arg4: memref<1x128xf32, #tpu.memory_space<vmem>>, %arg5: memref<1x128xf32, #tpu.memory_space<vmem>>, %arg6: memref<1x128xf32, #tpu.memory_space<vmem>>, %arg7: memref<128x128xf32, #tpu.memory_space<vmem>>, %arg8: memref<1x128xf32, #tpu.memory_space<vmem>>, %arg9: memref<1x128xf32, #tpu.memory_space<vmem>>, %arg10: memref<1x128xf32, #tpu.memory_space<vmem>>, %arg11: memref<10000x128xf32, #tpu.memory_space<vmem>>) attributes {dimension_semantics = [], scalar_prefetch = 0 : i64, scratch_operands = 0 : i64, tpu.core_type = #tpu.core_type<tc>} {
    %get3A = arith.constant 0 : index
    %get3A_0 = memref.load %arg0[%get3A] : memref<1xf32, #tpu.memory_space<smem>>
    %add3A = arith.constant 1.000000e+00 : f32
    %add3A_1 = arith.addf %add3A, %get3A_0 : f32
    %get3A_2 = arith.constant 0 : index
    %get3A_3 = arith.constant 0 : index
    %get3A_4 = vector.load %arg1[%get3A_2, %get3A_3] : memref<10000x128xf32, #tpu.memory_space<vmem>>, vector<10000x128xf32>
    %mul3A = vector.broadcast %add3A_1 : f32 to vector<10000x128xf32>
    %mul3A_5 = arith.mulf %mul3A, %get3A_4 : vector<10000x128xf32>
    %get3A_6 = arith.constant 0 : index
    %get3A_7 = arith.constant 0 : index
    %get3A_8 = arith.constant 0 : index
    %get3A_9 = vector.load %arg2[%get3A_6, %get3A_7, %get3A_8] : memref<2x10112x128xf32, #tpu.memory_space<vmem>>, vector<1x10000x128xf32>
    %get3A_10 = vector.shape_cast %get3A_9 : vector<1x10000x128xf32> to vector<10000x128xf32>
    %get3A_11 = arith.constant 1 : index
    %get3A_12 = arith.constant 0 : index
    %get3A_13 = arith.constant 0 : index
    %get3A_14 = vector.load %arg2[%get3A_11, %get3A_12, %get3A_13] : memref<2x10112x128xf32, #tpu.memory_space<vmem>>, vector<1x10000x128xf32>
    %get3A_15 = vector.shape_cast %get3A_14 : vector<1x10000x128xf32> to vector<10000x128xf32>
    %add3A_16 = arith.addf %get3A_10, %get3A_15 : vector<10000x128xf32>
    %add3A_17 = arith.addf %mul3A_5, %add3A_16 : vector<10000x128xf32>
    %get3A_18 = arith.constant 0 : index
    %get3A_19 = arith.constant 0 : index
    %get3A_20 = vector.load %arg3[%get3A_18, %get3A_19] : memref<128x128xf32, #tpu.memory_space<vmem>>, vector<128x128xf32>
    %dot_general3A = arith.constant dense<0.000000e+00> : vector<10000x128xf32>
    %dot_general3A_21 = tpu.matmul %add3A_17, %get3A_20, %dot_general3A {dimension_numbers = #tpu.dot_dimension_numbers<[1], [0], [0], [1], [0, 0, 1, 1], [], []>, transpose_lhs_hint = false} : vector<10000x128xf32>, vector<128x128xf32>, vector<10000x128xf32> -> vector<10000x128xf32>
    %get3A_22 = arith.constant 0 : index
    %get3A_23 = arith.constant 0 : index
    %get3A_24 = vector.load %arg4[%get3A_22, %get3A_23] : memref<1x128xf32, #tpu.memory_space<vmem>>, vector<1x128xf32>
    %add3A_25 = vector.broadcast %get3A_24 : vector<1x128xf32> to vector<10000x128xf32>
    %add3A_26 = arith.addf %dot_general3A_21, %add3A_25 : vector<10000x128xf32>
    %reduce_sum3A = arith.constant dense<0.000000e+00> : vector<128xf32>
    %reduce_sum3A_27 = vector.multi_reduction <add>, %add3A_26, %reduce_sum3A [0] : vector<10000x128xf32> to vector<128xf32>
    %broadcast_in_dim3A = vector.shape_cast %reduce_sum3A_27 : vector<128xf32> to vector<1x128xf32>
    %div3A = arith.constant 1.000000e+04 : f32
    %div3A_28 = vector.broadcast %div3A : f32 to vector<1x128xf32>
    %div3A_29 = arith.divf %broadcast_in_dim3A, %div3A_28 : vector<1x128xf32>
    %sub3A = vector.broadcast %div3A_29 : vector<1x128xf32> to vector<10000x128xf32>
    %sub3A_30 = arith.subf %add3A_26, %sub3A : vector<10000x128xf32>
    %integer_pow3A = arith.mulf %sub3A_30, %sub3A_30 : vector<10000x128xf32>
    %reduce_sum3A_31 = arith.constant dense<0.000000e+00> : vector<128xf32>
    %reduce_sum3A_32 = vector.multi_reduction <add>, %integer_pow3A, %reduce_sum3A_31 [0] : vector<10000x128xf32> to vector<128xf32>
    %broadcast_in_dim3A_33 = vector.shape_cast %reduce_sum3A_32 : vector<128xf32> to vector<1x128xf32>
    %div3A_34 = arith.constant 1.000000e+04 : f32
    %div3A_35 = vector.broadcast %div3A_34 : f32 to vector<1x128xf32>
    %div3A_36 = arith.divf %broadcast_in_dim3A_33, %div3A_35 : vector<1x128xf32>
    %get3A_37 = arith.constant 0 : index
    %get3A_38 = arith.constant 0 : index
    %get3A_39 = vector.load %arg5[%get3A_37, %get3A_38] : memref<1x128xf32, #tpu.memory_space<vmem>>, vector<1x128xf32>
    %sub3A_40 = vector.broadcast %div3A_29 : vector<1x128xf32> to vector<10000x128xf32>
    %sub3A_41 = arith.subf %add3A_26, %sub3A_40 : vector<10000x128xf32>
    %mul3A_42 = vector.broadcast %get3A_39 : vector<1x128xf32> to vector<10000x128xf32>
    %mul3A_43 = arith.mulf %mul3A_42, %sub3A_41 : vector<10000x128xf32>
    %add3A_44 = arith.constant 9.99999974E-6 : f32
    %add3A_45 = vector.broadcast %add3A_44 : f32 to vector<1x128xf32>
    %add3A_46 = arith.addf %div3A_36, %add3A_45 : vector<1x128xf32>
    %rsqrt3A = math.rsqrt %add3A_46 : vector<1x128xf32>
    %mul3A_47 = vector.broadcast %rsqrt3A : vector<1x128xf32> to vector<10000x128xf32>
    %mul3A_48 = arith.mulf %mul3A_43, %mul3A_47 : vector<10000x128xf32>
    %get3A_49 = arith.constant 0 : index
    %get3A_50 = arith.constant 0 : index
    %get3A_51 = vector.load %arg6[%get3A_49, %get3A_50] : memref<1x128xf32, #tpu.memory_space<vmem>>, vector<1x128xf32>
    %add3A_52 = vector.broadcast %get3A_51 : vector<1x128xf32> to vector<10000x128xf32>
    %add3A_53 = arith.addf %mul3A_48, %add3A_52 : vector<10000x128xf32>
    %max3A = arith.constant 0.000000e+00 : f32
    %max3A_54 = vector.broadcast %max3A : f32 to vector<10000x128xf32>
    %max3A_55 = arith.maximumf %add3A_53, %max3A_54 : vector<10000x128xf32>
    %get3A_56 = arith.constant 0 : index
    %get3A_57 = arith.constant 0 : index
    %get3A_58 = vector.load %arg7[%get3A_56, %get3A_57] : memref<128x128xf32, #tpu.memory_space<vmem>>, vector<128x128xf32>
    %dot_general3A_59 = arith.constant dense<0.000000e+00> : vector<10000x128xf32>
    %dot_general3A_60 = tpu.matmul %max3A_55, %get3A_58, %dot_general3A_59 {dimension_numbers = #tpu.dot_dimension_numbers<[1], [0], [0], [1], [0, 0, 1, 1], [], []>, transpose_lhs_hint = false} : vector<10000x128xf32>, vector<128x128xf32>, vector<10000x128xf32> -> vector<10000x128xf32>
    %get3A_61 = arith.constant 0 : index
    %get3A_62 = arith.constant 0 : index
    %get3A_63 = vector.load %arg8[%get3A_61, %get3A_62] : memref<1x128xf32, #tpu.memory_space<vmem>>, vector<1x128xf32>
    %add3A_64 = vector.broadcast %get3A_63 : vector<1x128xf32> to vector<10000x128xf32>
    %add3A_65 = arith.addf %dot_general3A_60, %add3A_64 : vector<10000x128xf32>
    %reduce_sum3A_66 = arith.constant dense<0.000000e+00> : vector<128xf32>
    %reduce_sum3A_67 = vector.multi_reduction <add>, %add3A_65, %reduce_sum3A_66 [0] : vector<10000x128xf32> to vector<128xf32>
    %broadcast_in_dim3A_68 = vector.shape_cast %reduce_sum3A_67 : vector<128xf32> to vector<1x128xf32>
    %div3A_69 = arith.constant 1.000000e+04 : f32
    %div3A_70 = vector.broadcast %div3A_69 : f32 to vector<1x128xf32>
    %div3A_71 = arith.divf %broadcast_in_dim3A_68, %div3A_70 : vector<1x128xf32>
    %sub3A_72 = vector.broadcast %div3A_71 : vector<1x128xf32> to vector<10000x128xf32>
    %sub3A_73 = arith.subf %add3A_65, %sub3A_72 : vector<10000x128xf32>
    %integer_pow3A_74 = arith.mulf %sub3A_73, %sub3A_73 : vector<10000x128xf32>
    %reduce_sum3A_75 = arith.constant dense<0.000000e+00> : vector<128xf32>
    %reduce_sum3A_76 = vector.multi_reduction <add>, %integer_pow3A_74, %reduce_sum3A_75 [0] : vector<10000x128xf32> to vector<128xf32>
    %broadcast_in_dim3A_77 = vector.shape_cast %reduce_sum3A_76 : vector<128xf32> to vector<1x128xf32>
    %div3A_78 = arith.constant 1.000000e+04 : f32
    %div3A_79 = vector.broadcast %div3A_78 : f32 to vector<1x128xf32>
    %div3A_80 = arith.divf %broadcast_in_dim3A_77, %div3A_79 : vector<1x128xf32>
    %get3A_81 = arith.constant 0 : index
    %get3A_82 = arith.constant 0 : index
    %get3A_83 = vector.load %arg9[%get3A_81, %get3A_82] : memref<1x128xf32, #tpu.memory_space<vmem>>, vector<1x128xf32>
    %sub3A_84 = vector.broadcast %div3A_71 : vector<1x128xf32> to vector<10000x128xf32>
    %sub3A_85 = arith.subf %add3A_65, %sub3A_84 : vector<10000x128xf32>
    %mul3A_86 = vector.broadcast %get3A_83 : vector<1x128xf32> to vector<10000x128xf32>
    %mul3A_87 = arith.mulf %mul3A_86, %sub3A_85 : vector<10000x128xf32>
    %add3A_88 = arith.constant 9.99999974E-6 : f32
    %add3A_89 = vector.broadcast %add3A_88 : f32 to vector<1x128xf32>
    %add3A_90 = arith.addf %div3A_80, %add3A_89 : vector<1x128xf32>
    %rsqrt3A_91 = math.rsqrt %add3A_90 : vector<1x128xf32>
    %mul3A_92 = vector.broadcast %rsqrt3A_91 : vector<1x128xf32> to vector<10000x128xf32>
    %mul3A_93 = arith.mulf %mul3A_87, %mul3A_92 : vector<10000x128xf32>
    %get3A_94 = arith.constant 0 : index
    %get3A_95 = arith.constant 0 : index
    %get3A_96 = vector.load %arg10[%get3A_94, %get3A_95] : memref<1x128xf32, #tpu.memory_space<vmem>>, vector<1x128xf32>
    %add3A_97 = vector.broadcast %get3A_96 : vector<1x128xf32> to vector<10000x128xf32>
    %add3A_98 = arith.addf %mul3A_93, %add3A_97 : vector<10000x128xf32>
    %max3A_99 = arith.constant 0.000000e+00 : f32
    %max3A_100 = vector.broadcast %max3A_99 : f32 to vector<10000x128xf32>
    %max3A_101 = arith.maximumf %add3A_98, %max3A_100 : vector<10000x128xf32>
    %swap3A = arith.constant 0 : index
    %swap3A_102 = arith.constant 0 : index
    %swap3A_103 = vector.load %arg11[%swap3A, %swap3A_102] : memref<10000x128xf32, #tpu.memory_space<vmem>>, vector<10000x128xf32>
    tpu.vector_store %arg11[%swap3A, %swap3A_102], %max3A_101 {strides = array<i32>} : memref<10000x128xf32, #tpu.memory_space<vmem>>, vector<10000x128xf32>,
    return
  }
}

</mosaic_0001>

<sc_bundles>
// kernel: kernel.4.cloned.1.call-start
scs
__scs_entry_jumppad:
0x0: {  	(pc) =	sbr.rel $0x88, $3  }
0x1: {  	(tag) =	ssettag $0x0;
	lr =	simm.s32 $0x1  }
0x2: {  	[smem:$0x3F96] =	sst lr;
	_ =	strace $0xD0000000  }
0x3: {  	_ = 	snop  }
0x4: {  	_ = 	snop  }
0x5: {  	_ = 	snop  }
0x6: {  	_ = 	snop  }
0x7: {  	_ = 	snop  }
__scs_overlays_trampoline_lowered:
0x8: {  	[smem:$0x3FA5] =	sst s0  }
0x9: {  	[smem:$0x3FA6] =	sst s1  }
0xa: {  	[smem:$0x3FA7] =	sst s2  }
0xb: {  	[smem:$0x3FA8] =	sst s3  }
0xc: {  	[smem:$0x3FA9] =	sst s4  }
0xd: {  	[smem:$0x3FAA] =	sst s5  }
0xe: {  	[smem:$0x3FAB] =	sst s6  }
0xf: {  	[smem:$0x3FAC] =	sst s7  }
0x10: {  	[smem:$0x3FAD] =	sst s8  }
0x11: {  	[smem:$0x3FAE] =	sst s9;
	s0 =	simm.s32 @!p0 $0x0  }
0x12: {  	s1 =	sld [smem:$0x3F94];
	s0 =	simm.s32 @p0 $0x1  }
0x13: {  	[smem:$0x3FAF] =	sst s0;
	s0 =	simm.s32 @!p1 $0x0  }
0x14: {  	s2 =	sld [smem:$0x3F93];
	s0 =	simm.s32 @p1 $0x1  }
0x15: {  	[smem:$0x3FB0] =	sst s0;
	s0 =	simm.s32 @!p2 $0x0  }
0x16: {  	s3 =	sld [smem:$0x3FDB];
	s0 =	simm.s32 @p2 $0x1  }
0x17: {  	s4 =	simm.s32 $0x1BF5;
	[smem:$0x3FB2] =	sst s0  }
0x18: {  	s0 =	sld [smem:$0x3F95];
	_ =	swait.ge [sflag:s4], $0x0  }
0x19: {  	s7 =	sld [smem:$0x3F96]  }
0x1a: {  	s8 =	sadd.s32 $0xFFFFE003, lr  }
0x1b: {  	s9 =	sadd.s32 $0xFFFFFEF7, lr;
	s5 =	simm.s32 $0xFFFFFFFF;
	p2 =	slt.u32 s8, $0xFFFFF086  }
0x1c: {  	p1 =	slt.u32 s9, $0xF7A;
	s5 =	simm.s32 @!p2 $0x0  }
0x1d: {  	s5 =	simm.s32 @p1 $0x1;
	p0 =	seq.s32 s7, s2  }
0x1e: {  	s7 =	smul.u32 @!p0 $0xF7A, s2;
	p2 =	seq.s32 @!p0 s5, $0x0  }
0x1f: {  	s9 =	smul.u32 $0xF7A, s1;
	s8 =	simm.s32 @!p0 $0x1BF5;
	p2 =	por !p2, p0  }
0x20: {  	[sflag:s8] =	ssyncset.s32 @!p0 $0xFFFFF086;
	s6 =	sadd.s32 @!p0 s3, s7;
	s7 =	simm.s32 @!p0 $0x108  }
0x21: {  	s3 =	sadd.s32 s3, s9;
	s6 =	sadd.s32 @!p0 $0x88, s6;
	s7 =	simm.s32 @p2 $0x1082  }
0x22: {  	[simem:s7], [sflag:s8] =	dma.local @!p0 [hbm:s6], $0xF7A  }
0x23: {  	s9 =	sor.u32 $0xD0000000, s2;
	s6 =	simm.s32 $0x108;
	_ =	swait.ge @!p0 [sflag:s8], $0x0  }
0x24: {  	s3 =	sadd.s32 $0x88, s3;
	s6 =	simm.s32 @!p1 $0x1082;
	[sflag:s4] =	ssyncset.s32 $0xFFFFF086  }
0x25: {  	[simem:s6], [sflag:s4] =	dma.local [hbm:s3], $0xF7A  }
0x26: {  	[smem:$0x3F96] =	sst s1;
	(tag) =	ssettag s2;
	_ =	strace s9  }
0x27: {  	s1 =	sld [smem:$0x3FA6]  }
0x28: {  	s2 =	sld [smem:$0x3FA7]  }
0x29: {  	s4 =	sld [smem:$0x3FA9]  }
0x2a: {  	p0 =	seq.s32 s5, $0x0;
	s5 =	sld [smem:$0x3FAA]  }
0x2b: {  	s6 =	sld [smem:$0x3FAB]  }
0x2c: {  	s7 =	sld [smem:$0x3FAC]  }
0x2d: {  	s3 =	simm.s32 $0x108;
	s8 =	sld [smem:$0x3FAD]  }
0x2e: {  	s3 =	simm.s32 @!p0 $0x1082;
	s9 =	sld [smem:$0x3FAE]  }
0x2f: {  	lr =	sadd.s32 s0, s3;
	s0 =	sld [smem:$0x3FA5]  }
0x30: {  	s3 =	sld [smem:$0x3FA8]  }
0x31: {  	[smem:$0x3FB1] =	sst s10  }
0x32: {  	s10 =	sld [smem:$0x3FAF];
	_ =	sdelay $0x3  }
0x33: {  	p0 =	seq.s32 s10, $0x1;
	s10 =	sld [smem:$0x3FB1];
	_ =	sdelay $0x3  }
0x34: {  	[smem:$0x3FB1] =	sst s10  }
0x35: {  	s10 =	sld [smem:$0x3FB0];
	_ =	sdelay $0x3  }
0x36: {  	p1 =	seq.s32 s10, $0x1;
	s10 =	sld [smem:$0x3FB1];
	_ =	sdelay $0x3  }
0x37: {  	[smem:$0x3FB1] =	sst s10  }
0x38: {  	s10 =	sld [smem:$0x3FB2]  }
0x39: {  	_ = 	snop;
	(pc) =	sbr.ind lr, $3  }
0x3a: {  	_ = 	snop  }
0x3b: {  	_ = 	snop  }
0x3c: {  	p2 =	seq.s32 s10, $0x1;
	s10 =	sld [smem:$0x3FB1]  }
0x3d: {  	_ =	shalt  }
0x3e: {  	_ =	shalt  }
0x3f: {  	_ =	shalt  }
0x40: {  	_ =	shalt  }
0x41: {  	_ =	shalt  }
0x42: {  	_ =	shalt  }
0x43: {  	_ =	shalt  }
0x44: {  	_ =	shalt  }
0x45: {  	_ =	shalt  }
0x46: {  	_ =	shalt  }
0x47: {  	_ =	shalt  }
0x48: {  	_ =	shalt  }
0x49: {  	_ =	shalt  }
0x4a: {  	_ =	shalt  }
0x4b: {  	_ =	shalt  }
0x4c: {  	_ =	shalt  }
0x4d: {  	_ =	shalt  }
0x4e: {  	_ =	shalt  }
0x4f: {  	_ =	shalt  }
0x50: {  	_ =	shalt  }
0x51: {  	_ =	shalt  }
0x52: {  	_ =	shalt  }
0x53: {  	_ =	shalt  }
0x54: {  	_ =	shalt  }
0x55: {  	_ =	shalt  }
0x56: {  	_ =	shalt  }
0x57: {  	_ =	shalt  }
0x58: {  	_ =	shalt  }
0x59: {  	_ =	shalt  }
0x5a: {  	_ =	shalt  }
0x5b: {  	_ =	shalt  }
0x5c: {  	_ =	shalt  }
0x5d: {  	_ =	shalt  }
0x5e: {  	_ =	shalt  }
0x5f: {  	_ =	shalt  }
0x60: {  	_ =	shalt  }
0x61: {  	_ =	shalt  }
0x62: {  	_ =	shalt  }
0x63: {  	_ =	shalt  }
0x64: {  	_ =	shalt  }
0x65: {  	_ =	shalt  }
0x66: {  	_ =	shalt  }
0x67: {  	_ =	shalt  }
0x68: {  	_ =	shalt  }
0x69: {  	_ =	shalt  }
0x6a: {  	_ =	shalt  }
0x6b: {  	_ =	shalt  }
0x6c: {  	_ =	shalt  }
0x6d: {  	_ =	shalt  }
0x6e: {  	_ =	shalt  }
0x6f: {  	_ =	shalt  }
0x70: {  	_ =	shalt  }
0x71: {  	_ =	shalt  }
0x72: {  	_ =	shalt  }
0x73: {  	_ =	shalt  }
0x74: {  	_ =	shalt  }
0x75: {  	_ =	shalt  }
0x76: {  	_ =	shalt  }
0x77: {  	_ =	shalt  }
0x78: {  	_ =	shalt  }
0x79: {  	_ =	shalt  }
0x7a: {  	_ =	shalt  }
0x7b: {  	_ =	shalt  }
0x7c: {  	_ =	shalt  }
0x7d: {  	_ =	shalt  }
0x7e: {  	_ =	shalt  }
0x7f: {  	_ =	shalt  }
0x80: {  	_ =	shalt  }
0x81: {  	_ =	shalt  }
0x82: {  	_ =	shalt  }
0x83: {  	_ =	shalt  }
0x84: {  	_ =	shalt  }
0x85: {  	_ =	shalt  }
0x86: {  	_ =	shalt  }
0x87: {  	_ =	shalt  }
.Lfunc_end0:
.L_simem_size_0:
called_computation_lowered:
.L_overlay_start_0:
0x88: {  	s2 =	sld [smem:$0x3FD9]  }
0x89: {  	s3 =	sld [smem:$0x3FFE];
	_ =	sdelay $0x1  }
0x8a: {  	s1 =	srdreg.scid  }
0x8b: {  	s0 =	sand.u32 $0x1, s1  }
0x8c: {  	s17 =	sshll.u32 s0, $0xA;
	s2 =	sadd.s32 s3, s2  }
0x8d: {  	s2 =	sadd.s32 s2, s17  }
0x8e: {  	[smem:$0x3FBD] =	sst s2  }
0x8f: {  	_ = 	snop  }
0x90: {  	s2 =	sld [smem:$0x3FC9]  }
0x91: {  	s18 =	sld [smem:$0x3FC8];
	(tm) =	ssettm $0x1  }
0x92: {  	s4 =	sld [smem:$0x3FFB];
	_ =	sdelay $0x3  }
0x93: {  	_ =	strace s4  }
0x94: {  	s4 =	sld [smem:$0x3FFC];
	_ =	sdelay $0x3  }
0x95: {  	_ =	strace s4  }
0x96: {  	s4 =	sld [smem:$0x3FFD];
	_ =	sdelay $0x3  }
0x97: {  	_ =	strace s4  }
0x98: {  	_ =	strace $0x8FFFFFFF  }
0x99: {  	s19 =	sld [smem:$0x3FDB];
	_ =	sdelay $0x1  }
0x9a: {  	s5 =	simm.s32 $_scs_section_size  }
0x9b: {  	s6 =	simm.s32 $_size__tile_overlayer_lowered;
	s7 =	simm.s32 $_tile_overlayer_lowered  }
0x9c: {  	s22 =	simm.s32 $0x1BFF;
	s21 =	sshll.u32 s7, $0x1;
	s4 =	sadd.s32 s5, s19  }
0x9d: {  	s8 =	simm.s32 $0x0;
	s20 =	sshll.u32 s6, $0x1;
	s6 =	sadd.s32 s21, s4  }
0x9e: {  	[timem:s8], [sflag:s22] =	dma.local [hbm:s6], s20  }
0x9f: {  	_ =	swait.ge [sflag:s22], s20  }
0xa0: {  	s5 =	ssub.s32 $0x0, s20;
	[sflag:s22] =	ssyncset.done $0x0  }
0xa1: {  	[sflag:s22] =	ssyncadd.s32 s5;
	_ =	sdelay $0x1  }
0xa2: {  	s23 =	simm.s32 $0x1B8B  }
0xa3: {  	_ =	swait.ge [sflag:s23], $0x1  }
0xa4: {  	[sflag:s23] =	ssyncset.done $0x0  }
0xa5: {  	s25 =	simm.s32 $0x1B8E;
	s24 =	sld [smem:$0x3FFE];
	[sflag:s23] =	ssyncadd.s32 $0xFFFFFFFF  }
0xa6: {  	s26 =	simm.s32 $execute0_lowered;
	[smem:$0x3FD2] =	sst s25  }
0xa7: {  	s6 =	sshll.u32 s26, $0x1;
	_ =	strace $0x80000046;
	[dreg:$0x1] =	wrdreg $0xFFFFFFFF  }
0xa8: {  	s28 =	simm.s32 $_size_execute0_lowered;
	s4 =	sadd.s32 s4, s6;
	[dreg:$0x0] =	wrdreg $0x0  }
0xa9: {  	s6 =	sshll.u32 s28, $0x1;
	[dreg:$0x2] =	wrdreg s4  }
0xaa: {  	[dreg:$0x3] =	wrdreg s6  }
0xab: {  	[dreg:$0x4] =	wrdreg $0xC0  }
0xac: {  	_ =	task [dreg:s8], $0x5FFFF  }
0xad: {  	[dreg:$0x1] =	wrdreg $0xFFFFFFFF  }
0xae: {  	[dreg:$0x0] =	wrdreg $0x60  }
0xaf: {  	[dreg:$0x2] =	wrdreg s2  }
0xb0: {  	[dreg:$0x3] =	wrdreg s18  }
0xb1: {  	[dreg:$0x4] =	wrdreg s24  }
0xb2: {  	[dreg:$0x5] =	wrdreg $0xA2000  }
0xb3: {  	[dreg:$0x6] =	wrdreg $0x9  }
0xb4: {  	_ =	task.clear_ibuf [dreg:s8], $0x7FFFF;
	_ =	strace $0x90000046  }
0xb5: {  	s29 =	simm.s32 $0x9;
	_ =	strace $0x80000048  }
0xb6: {  	_ =	swait.ge [sflag:s29], $0x1  }
0xb7: {  	[sflag:s29] =	ssyncadd.s32 $0xFFFFFFFF  }
0xb8: {  	_ =	strace $0x90000048  }
0xb9: {  	_ =	sfence  }
0xba: {  	s30 =	sld [smem:$0x0];
	_ =	sdelay $0x2  }
0xbb: {  	s31 =	sshll.u32 s1, $0xD;
	s1 =	sshrl.u32 s1, $0x2  }
0xbc: {  	s3 =	sand.u32 $0x4000, s31;
	s1 =	sadd.s32 s1, s30  }
0xbd: {  	s0 =	sor.u32 s3, s0;
	s1 =	sshll.u32 s1, $0x11  }
0xbe: {  	s0 =	sor.u32 s1, s0  }
0xbf: {  	s0 =	sadd.s32 $0x8F2B, s0  }
0xc0: {  	[sflag:s0] =	ssyncadd.remote.s32 $0x1  }
0xc1: {  	_ =	sfence.sel $0xFFFF  }
0xc2: {  	[dreg:$0x0] =	wrdreg $0xFFFFFFFF;
	(pc) =	sbr.abs _section_cstart, $3  }
0xc3: {  	[dreg:$0x1] =	wrdreg $0xFFFFFFFF  }
0xc4: {  	_ =	task.clear_ibuf [dreg:s8], $0x2FFFF;
	_ =	strace $0x9FFFFFFF  }
0xc5: {  	(tm) =	ssettm $0x7FFFFFFF  }
tec
execute0_lowered:
.L_overlay_start_1:
0x0: {  	(tag) =	ssettag $0x1  }
0x1: {  	s1 =	rddreg [dreg:$0x0]  }
0x2: {  	s0 =	srdreg.scid;
	s6 =	rddreg [dreg:$0x1]  }
0x3: {  	s12 =	stileid.u32;
	s4 =	rddreg [dreg:$0x2]  }
0x4: {  	s0 =	sand.u32 $0x1, s0;
	s3 =	sshll.u32 s12, $0x1;
	s5 =	smul.u32 $0x13C00, s12  }
0x5: {  	s13 =	simm.s32 $0x0;
	s2 =	smul.u32 $0x13C000, s0;
	s7 =	sor.u32 s0, s3  }
0x6: {  	[smem:$0x7FF] =	sst s13;
	s7 =	smul.u32 $0x2710, s7  }
0x7: {  	s13 =	simm.s32 $0x0;
	s3 =	rddreg [dreg:$0x3];
	s2 =	sadd.s32 s5, s2  }
0x8: {  	s16 =	ssub.s32 $0x2, s0;
	s2 =	sshrl.u32 s2, $0x3;
	s8 =	sand.u32 $0x7FF80, s7  }
0x9: {  	s17 =	sshrl.u32 s16, $0x1;
	s2 =	sadd.s32 s2, s4;
	s8 =	smin.u32 s8, $0x4BA00  }
0xa: {  	s4 =	ssub.s32 s16, s17;
	s5 =	ssub.s32 s7, s8;
	s8 =	sshrl.u32 s8, $0x2  }
0xb: {  	s7 =	sand.u32 $0x70, s7;
	s6 =	sadd.s32 s6, s8;
	s18 =	sshll.u32 s5, $0x1  }
0xc: {  	s19 =	sadd.s32 $0x10, s5;
	s10 =	sadd.s32 $0x20, s5;
	s23 =	sadd.s32 $0x30, s5  }
0xd: {  	s25 =	sadd.s32 $0x40, s5;
	s11 =	sadd.s32 $0x50, s5;
	s14 =	sadd.s32 $0x60, s5  }
0xe: {  	s17 =	sadd.s32 $0x70, s5;
	[dreg:$0x5] =	wrdreg s6;
	s6 =	sand.u32 $0xFFFFFF00, s18  }
0xf: {  	s9 =	sshll.u32 s19, $0x1;
	s8 =	sand.u32 $0x70, s19;
	s21 =	sshll.u32 s10, $0x1  }
0x10: {  	s22 =	sand.u32 $0x70, s10;
	s24 =	sshll.u32 s23, $0x1;
	s26 =	sshll.u32 s25, $0x1  }
0x11: {  	s15 =	sshll.u32 s14, $0x1;
	s16 =	sand.u32 $0x70, s14;
	s18 =	sshll.u32 s17, $0x1  }
0x12: {  	s19 =	sadd.s32 $0x90, s5;
	s9 =	sand.u32 $0xFFFFFF00, s9;
	s6 =	sor.u32 s7, s6  }
0x13: {  	s7 =	sand.u32 $0xFFFFFF00, s21;
	s10 =	sand.u32 $0xFFFFFF00, s26;
	s21 =	sand.u32 $0x70, s19  }
0x14: {  	s20 =	sor.u32 s8, s9;
	s7 =	sor.u32 s22, s7;
	s9 =	sand.u32 $0x70, s23  }
0x15: {  	s8 =	sand.u32 $0x70, s25;
	s23 =	sadd.s32 $0x26C0, s5;
	[dreg:$0x6] =	wrdreg s20  }
0x16: {  	[dreg:$0x7] =	wrdreg s7;
	s7 =	sand.u32 $0xFFFFFF00, s24;
	s20 =	sshll.u32 s19, $0x1  }
0x17: {  	s24 =	sadd.s32 $0x26D0, s5;
	s25 =	sand.u32 $0x70, s23;
	s7 =	sor.u32 s9, s7  }
0x18: {  	s9 =	sor.u32 s8, s10;
	s10 =	sshll.u32 s11, $0x1;
	s11 =	sand.u32 $0x70, s11  }
0x19: {  	s22 =	sand.u32 $0xFFFFFF00, s20;
	s26 =	sshll.u32 s24, $0x1;
	[dreg:$0x8] =	wrdreg s7  }
0x1a: {  	s8 =	sand.u32 $0x70, s24;
	[dreg:$0x9] =	wrdreg s9;
	s7 =	sand.u32 $0xFFFFFF00, s10  }
0x1b: {  	s10 =	smul.u32 $0x4F000, s12;
	s9 =	sand.u32 $0x70, s17;
	s7 =	sor.u32 s11, s7  }
0x1c: {  	[dreg:$0xa] =	wrdreg s7;
	s7 =	sand.u32 $0xFFFFFF00, s15;
	s15 =	smul.u32 $0x4E20, s12  }
0x1d: {  	s11 =	sand.u32 $0xFFFFFF00, s26;
	s7 =	sor.u32 s16, s7;
	s16 =	smul.u32 $0x2710, s0  }
0x1e: {  	s24 =	sshrl.u32 s10, $0x2;
	s10 =	simm.s32 $0x1;
	s0 =	smul.u32 $0x4E20, s0  }
0x1f: {  	s19 =	sadd.s32 s24, s3;
	s24 =	smax.u32 s4, $0x1;
	s4 =	simm.s32 $0x50  }
0x20: {  	[dreg:$0xb] =	wrdreg s7;
	s7 =	sand.u32 $0xFFFFFF00, s18;
	s28 =	sadd.s32 $0xA000, s19  }
0x21: {  	s29 =	sadd.s32 $0xC800, s19;
	s30 =	sadd.s32 $0xF000, s19;
	s31 =	sadd.s32 $0x11800, s19  }
0x22: {  	s7 =	sor.u32 s9, s7;
	s9 =	sor.u32 s8, s11;
	s11 =	sadd.s32 $0x26E0, s5  }
0x23: {  	s5 =	sadd.s32 $0x26F0, s5;
	s18 =	sadd.s32 s16, s15;
	[dreg:$0xc] =	wrdreg s7  }
0x24: {  	s8 =	simm.s32 $0x2;
	s7 =	sor.u32 s21, s22;
	[dreg:$0xf] =	wrdreg s9  }
0x25: {  	s14 =	sand.u32 $0x70, s11;
	s17 =	sand.u32 $0x70, s5;
	s5 =	sshll.u32 s5, $0x1  }
0x26: {  	s22 =	smul.u32 $0x9C40, s12;
	s21 =	sadd.s32 $0x2800, s19;
	s9 =	simm.s32 $0x5080  }
0x27: {  	s12 =	simm.s32 $0x5180;
	[dreg:$0xd] =	wrdreg s7;
	s7 =	sshll.u32 s23, $0x1  }
0x28: {  	s5 =	sand.u32 $0xFFFFFF00, s5;
	s23 =	sand.u32 $0xFFF80, s18;
	s7 =	sand.u32 $0xFFFFFF00, s7  }
0x29: {  	s5 =	sor.u32 s17, s5;
	s0 =	sadd.s32 s0, s22;
	s22 =	sadd.s32 $0x5000, s19  }
0x2a: {  	s7 =	sor.u32 s25, s7;
	[dreg:$0x11] =	wrdreg s5;
	s5 =	smin.u32 s23, $0x4BA00  }
0x2b: {  	s23 =	sadd.s32 $0x1800, s2;
	s2 =	simm.s32 $0x3;
	[dreg:$0xe] =	wrdreg s7  }
.Ltmp0:
0x2c: {  	s7 =	sshll.u32 s11, $0x1;
	s25 =	sshll.u32 s5, $0x1;
	(pc) =	sbr.rel .LBB2_1-.Ltmp0, $4  }
0x2d: {  	s26 =	ssub.s32 s18, s5;
	s5 =	simm.s32 $0x5200;
	s7 =	sand.u32 $0xFFFFFF00, s7  }
0x2e: {  	s11 =	simm.s32 $0x5100;
	s20 =	ssub.s32 s0, s25;
	s7 =	sor.u32 s14, s7  }
0x2f: {  	s15 =	sadd.s32 $0x130, s26;
	s26 =	sadd.s32 $0x7800, s19;
	[dreg:$0x10] =	wrdreg s7  }
0x30: {  	v0 =	vimm.f32 $0.0e+00;
	s0 =	simm.s32 $0x5000;
	s7 =	simm.s32 $0x7A00;
	_ =	strace $0x80000047  }
.LBB2_6:
0x31: {  	_ =	swait.ge [sflag:s10], $0x2800  }
0x32: {  	[sflag:s10] =	ssyncset.done $0x0  }
0x33: {  	s14 =	rddreg [dreg:$0xe];
	[sflag:s10] =	ssyncadd.s32 $0xFFFFD800  }
0x34: {  	v1 =	vld [tilespmem:s14+$0x80];
	_ =	sdelay $0x4  }
0x35: {  	s16 =	rddreg [dreg:$0xf];
	[tilespmem:$0x5100] =	vst v1  }
0x36: {  	v1 =	vld [tilespmem:s16+$0x80];
	_ =	sdelay $0x4  }
0x37: {  	s17 =	rddreg [dreg:$0x10];
	[tilespmem:$0x5110] =	vst v1  }
0x38: {  	v1 =	vld [tilespmem:s17+$0x80];
	_ =	sdelay $0x4  }
0x39: {  	s18 =	rddreg [dreg:$0x11];
	[tilespmem:$0x5120] =	vst v1  }
0x3a: {  	v1 =	vld [tilespmem:s18+$0x80];
	_ =	sdelay $0x4  }
0x3b: {  	[tilespmem:$0x5130] =	vst v1  }
0x3c: {  	v1 =	vld [tilespmem:s6+$0x4E80];
	_ =	sdelay $0x4  }
0x3d: {  	[tilespmem:$0x5140] =	vst v1  }
0x3e: {  	[spmem:s3] =	stream.indirect.scatter.add.f32 [tilespmem:s5], [sflag:$0x3], $0x80, s11, s4, $0xb8;
	[tilespmem:$0x1DE00] =	vst v63  }
0x3f: {  	s25 =	stileid.u32;
	_ =	swait.ge [sflag:s2], $0x2800  }
0x40: {  	s13 =	sadd.s32 $0x1, s13;
	s14 =	sshll.u32 s25, $0x6;
	[sflag:s2] =	ssyncset.done $0x0  }
0x41: {  	p0 =	sne.s32 s13, s24;
	s14 =	sor.u32 $0x1C03, s14;
	[sflag:s2] =	ssyncadd.s32 $0xFFFFD800  }
.Ltmp1:
0x42: {  	s16 =	sshrl.u32 s19, $0x3;
	[bflag:$0x0] =	sbarrier.arrive $0xFFFF;
	(pc) =	sbr.rel @!p0 .LBB2_7-.Ltmp1, $4  }
0x43: {  	[hbm:s23], [sflag:s14] =	dma.local [spmem:s16], $0x2780  }
0x44: {  	_ =	swait.ge [sflag:s2], $0x2780  }
0x45: {  	[sflag:s2] =	ssyncset.done $0x0  }
0x46: {  	[sflag:s2] =	ssyncadd.s32 $0xFFFFD880  }
.LBB2_1:
0x47: {  	s14 =	simm.s32 $0x0;
	s16 =	rddreg [dreg:$0x5]  }
0x48: {  	[tilespmem:s14], [sflag:$0x3] =	stream.linear.gather [hbm4b:s16+s14], $0x5000, $0x38;
	[tilespmem:$0x1DE00] =	vst v63  }
0x49: {  	_ =	swait.ge [sflag:s2], $0x5000  }
0x4a: {  	[sflag:s2] =	ssyncset.done $0x0  }
0x4b: {  	[sflag:s2] =	ssyncadd.s32 $0xFFFFB000  }
0x4c: {  	v1 =	vld [tilespmem:s6+$0x0];
	_ =	sdelay $0x4  }
0x4d: {  	s16 =	rddreg [dreg:$0x6];
	[tilespmem:$0x5000] =	vst v1  }
0x4e: {  	v1 =	vld [tilespmem:s16+$0x0];
	_ =	sdelay $0x4  }
0x4f: {  	s17 =	rddreg [dreg:$0x7];
	[tilespmem:$0x5010] =	vst v1  }
0x50: {  	v1 =	vld [tilespmem:s17+$0x0];
	_ =	sdelay $0x4  }
0x51: {  	s18 =	rddreg [dreg:$0x8];
	[tilespmem:$0x5020] =	vst v1  }
0x52: {  	v1 =	vld [tilespmem:s18+$0x0];
	_ =	sdelay $0x4  }
0x53: {  	s25 =	rddreg [dreg:$0x9];
	[tilespmem:$0x5030] =	vst v1  }
0x54: {  	v1 =	vld [tilespmem:s25+$0x0];
	_ =	sdelay $0x4  }
0x55: {  	s14 =	simm.s32 $0x0;
	s16 =	simm.s32 $0x200;
	[tilespmem:$0x5040] =	vst v1  }
0x56: {  	[tilespmem:s5], [sflag:$0x1] =	stream.indirect.gather [hbm4b:s1+s4], $0x80, s0, s4, $0xb8;
	[tilespmem:$0x1DE00] =	vst v63  }
.LBB2_2:
0x57: {  	p0 =	sne.s32 s16, $0x9E00;
	[tilespmem:s14+$0x7A70] =	vst v0  }
0x58: {  	[tilespmem:s14+$0x7A00] =	vst v0  }
0x59: {  	[tilespmem:s14+$0x7A10] =	vst v0  }
.Ltmp2:
0x5a: {  	[tilespmem:s14+$0x7A20] =	vst v0;
	(pc) =	sbr.rel @p0 .LBB2_2-.Ltmp2, $4  }
0x5b: {  	[tilespmem:s14+$0x7A30] =	vst v0  }
0x5c: {  	[tilespmem:s14+$0x7A40] =	vst v0  }
0x5d: {  	[tilespmem:s14+$0x7A50] =	vst v0  }
0x5e: {  	[tilespmem:s14+$0x7A60] =	vst v0;
	s14 =	sshra.s32 s16, $0x2;
	s16 =	sadd.s32 $0x200, s16  }
0x5f: {  	[tilespmem:s14+$0x7A70] =	vst v0  }
0x60: {  	[tilespmem:s14+$0x7A00] =	vst v0  }
0x61: {  	[tilespmem:s14+$0x7A10] =	vst v0  }
0x62: {  	[tilespmem:s14+$0x7A20] =	vst v0  }
0x63: {  	[tilespmem:s14+$0x7A30] =	vst v0  }
0x64: {  	[tilespmem:s14+$0x7A40] =	vst v0  }
0x65: {  	[tilespmem:s14+$0x7A50] =	vst v0  }
0x66: {  	[tilespmem:s14+$0x7A60] =	vst v0  }
0x67: {  	[spmem:s19] =	stream.linear.scatter [tilespmem:s7], [sflag:$0x2], $0x2800, $0x38;
	[tilespmem:$0x1DE00] =	vst v63  }
0x68: {  	_ = 	snop  }
0x69: {  	[spmem:s21] =	stream.linear.scatter [tilespmem:s7], [sflag:$0x2], $0x2800, $0x38;
	[tilespmem:$0x1DE00] =	vst v63  }
0x6a: {  	_ = 	snop  }
0x6b: {  	[spmem:s22] =	stream.linear.scatter [tilespmem:s7], [sflag:$0x2], $0x2800, $0x38;
	[tilespmem:$0x1DE00] =	vst v63  }
0x6c: {  	_ = 	snop  }
0x6d: {  	[spmem:s26] =	stream.linear.scatter [tilespmem:s7], [sflag:$0x2], $0x2800, $0x38;
	[tilespmem:$0x1DE00] =	vst v63  }
0x6e: {  	_ = 	snop  }
0x6f: {  	[spmem:s28] =	stream.linear.scatter [tilespmem:s7], [sflag:$0x2], $0x2800, $0x38;
	[tilespmem:$0x1DE00] =	vst v63  }
0x70: {  	_ = 	snop  }
0x71: {  	[spmem:s29] =	stream.linear.scatter [tilespmem:s7], [sflag:$0x2], $0x2800, $0x38;
	[tilespmem:$0x1DE00] =	vst v63  }
0x72: {  	_ = 	snop  }
0x73: {  	[spmem:s30] =	stream.linear.scatter [tilespmem:s7], [sflag:$0x2], $0x2800, $0x38;
	[tilespmem:$0x1DE00] =	vst v63  }
0x74: {  	_ = 	snop  }
0x75: {  	[spmem:s31] =	stream.linear.scatter [tilespmem:s7], [sflag:$0x2], $0x2400, $0x38;
	[tilespmem:$0x1DE00] =	vst v63  }
0x76: {  	_ =	swait.ge [sflag:s8], $0x2800  }
0x77: {  	[sflag:s8] =	ssyncset.done $0x0  }
0x78: {  	[sflag:s8] =	ssyncadd.s32 $0xFFFFD800  }
0x79: {  	_ =	swait.ge [sflag:s8], $0x2800  }
0x7a: {  	[sflag:s8] =	ssyncset.done $0x0  }
0x7b: {  	[sflag:s8] =	ssyncadd.s32 $0xFFFFD800  }
0x7c: {  	_ =	swait.ge [sflag:s8], $0x2800  }
0x7d: {  	[sflag:s8] =	ssyncset.done $0x0  }
0x7e: {  	[sflag:s8] =	ssyncadd.s32 $0xFFFFD800  }
0x7f: {  	_ =	swait.ge [sflag:s8], $0x2800  }
0x80: {  	[sflag:s8] =	ssyncset.done $0x0  }
0x81: {  	[sflag:s8] =	ssyncadd.s32 $0xFFFFD800  }
0x82: {  	_ =	swait.ge [sflag:s8], $0x2800  }
0x83: {  	[sflag:s8] =	ssyncset.done $0x0  }
0x84: {  	[sflag:s8] =	ssyncadd.s32 $0xFFFFD800  }
0x85: {  	_ =	swait.ge [sflag:s8], $0x2800  }
0x86: {  	[sflag:s8] =	ssyncset.done $0x0  }
0x87: {  	[sflag:s8] =	ssyncadd.s32 $0xFFFFD800  }
0x88: {  	_ =	swait.ge [sflag:s8], $0x2800  }
0x89: {  	[sflag:s8] =	ssyncset.done $0x0  }
0x8a: {  	[sflag:s8] =	ssyncadd.s32 $0xFFFFD800  }
0x8b: {  	_ =	swait.ge [sflag:s8], $0x2400  }
0x8c: {  	[sflag:s8] =	ssyncset.done $0x0  }
0x8d: {  	s16 =	rddreg [dreg:$0xa];
	[sflag:s8] =	ssyncadd.s32 $0xFFFFDC00  }
0x8e: {  	v1 =	vld [tilespmem:s16+$0x0];
	_ =	sdelay $0x4  }
0x8f: {  	s17 =	rddreg [dreg:$0xb];
	[tilespmem:$0x5080] =	vst v1  }
0x90: {  	v1 =	vld [tilespmem:s17+$0x0];
	_ =	sdelay $0x4  }
0x91: {  	s18 =	rddreg [dreg:$0xc];
	[tilespmem:$0x5090] =	vst v1  }
0x92: {  	v1 =	vld [tilespmem:s18+$0x0];
	_ =	sdelay $0x4  }
0x93: {  	[tilespmem:$0x50A0] =	vst v1  }
0x94: {  	v1 =	vld [tilespmem:s6+$0x100];
	_ =	sdelay $0x4  }
0x95: {  	s25 =	rddreg [dreg:$0xd];
	[tilespmem:$0x50B0] =	vst v1  }
0x96: {  	v1 =	vld [tilespmem:s25+$0x0];
	_ =	sdelay $0x4  }
0x97: {  	[tilespmem:$0x50C0] =	vst v1  }
0x98: {  	[tilespmem:s7], [sflag:$0x2] =	stream.indirect.gather [hbm4b:s1+s4], $0x80, s9, s4, $0xb8;
	[tilespmem:$0x1DE00] =	vst v63  }
0x99: {  	s14 =	simm.s32 $0x0;
	s25 =	smov.u32 s15;
	[bflag:$0x0] =	sbarrier.arrive $0xFFFF  }
.LBB2_4:
0x9a: {  	_ =	swait.ge [sflag:s10], $0x2800;
	s17 =	sadd.s32 $0xFFFFFED0, s25;
	s16 =	sadd.s32 s14, s20  }
0x9b: {  	[sflag:s10] =	ssyncset.done $0x0;
	s17 =	sand.u32 $0x70, s17;
	s18 =	sand.u32 $0xFFFFFF00, s16  }
0x9c: {  	[sflag:s10] =	ssyncadd.s32 $0xFFFFD800;
	s17 =	sor.u32 s17, s18  }
0x9d: {  	v1 =	vld [tilespmem:s17+$0x80];
	_ =	sdelay $0x2  }
0x9e: {  	s18 =	sadd.s32 $0x20, s16;
	s17 =	sadd.s32 $0xFFFFFEE0, s25  }
0x9f: {  	s18 =	sand.u32 $0xFFFFFF00, s18;
	s17 =	sand.u32 $0x70, s17  }
0xa0: {  	s17 =	sor.u32 s17, s18;
	[tilespmem:$0x5100] =	vst v1  }
0xa1: {  	v1 =	vld [tilespmem:s17+$0x80];
	_ =	sdelay $0x2  }
0xa2: {  	s18 =	sadd.s32 $0x40, s16;
	s17 =	sadd.s32 $0xFFFFFEF0, s25  }
0xa3: {  	s18 =	sand.u32 $0xFFFFFF00, s18;
	s17 =	sand.u32 $0x70, s17  }
0xa4: {  	s17 =	sor.u32 s17, s18;
	[tilespmem:$0x5110] =	vst v1  }
0xa5: {  	v1 =	vld [tilespmem:s17+$0x80];
	_ =	sdelay $0x2  }
0xa6: {  	s18 =	sadd.s32 $0x60, s16;
	s17 =	sadd.s32 $0xFFFFFF00, s25  }
0xa7: {  	s18 =	sand.u32 $0xFFFFFF00, s18;
	s17 =	sand.u32 $0x70, s17  }
0xa8: {  	s17 =	sor.u32 s17, s18;
	[tilespmem:$0x5120] =	vst v1  }
0xa9: {  	v1 =	vld [tilespmem:s17+$0x80];
	_ =	sdelay $0x2  }
0xaa: {  	s18 =	sadd.s32 $0x80, s16;
	s17 =	sadd.s32 $0xFFFFFF10, s25  }
0xab: {  	s18 =	sand.u32 $0xFFFFFF00, s18;
	s17 =	sand.u32 $0x70, s17  }
0xac: {  	s17 =	sor.u32 s17, s18;
	[tilespmem:$0x5130] =	vst v1  }
0xad: {  	v1 =	vld [tilespmem:s17+$0x80];
	_ =	sdelay $0x4  }
0xae: {  	[tilespmem:$0x5140] =	vst v1  }
0xaf: {  	[spmem:s3] =	stream.indirect.scatter.add.f32 [tilespmem:s5], [sflag:$0x3], $0x80, s11, s4, $0xb8;
	[tilespmem:$0x1DE00] =	vst v63  }
0xb0: {  	s18 =	sadd.s32 $0x140, s16;
	s17 =	sadd.s32 $0xFFFFFF70, s25;
	_ =	swait.ge [sflag:s2], $0x2800  }
0xb1: {  	s18 =	sand.u32 $0xFFFFFF00, s18;
	s17 =	sand.u32 $0x70, s17;
	[sflag:s2] =	ssyncset.done $0x0  }
0xb2: {  	s17 =	sor.u32 s17, s18;
	[sflag:s2] =	ssyncadd.s32 $0xFFFFD800  }
0xb3: {  	v1 =	vld [tilespmem:s17+$0x0];
	_ =	sdelay $0x2  }
0xb4: {  	s18 =	sadd.s32 $0x160, s16;
	s17 =	sadd.s32 $0xFFFFFF80, s25  }
0xb5: {  	s18 =	sand.u32 $0xFFFFFF00, s18;
	s17 =	sand.u32 $0x70, s17  }
0xb6: {  	s17 =	sor.u32 s17, s18;
	[tilespmem:$0x5000] =	vst v1  }
0xb7: {  	v1 =	vld [tilespmem:s17+$0x0];
	_ =	sdelay $0x2  }
0xb8: {  	s18 =	sadd.s32 $0x180, s16;
	s17 =	sadd.s32 $0xFFFFFF90, s25  }
0xb9: {  	s18 =	sand.u32 $0xFFFFFF00, s18;
	s17 =	sand.u32 $0x70, s17  }
0xba: {  	s17 =	sor.u32 s17, s18;
	[tilespmem:$0x5010] =	vst v1  }
0xbb: {  	v1 =	vld [tilespmem:s17+$0x0];
	_ =	sdelay $0x2  }
0xbc: {  	s18 =	sadd.s32 $0x1A0, s16;
	s17 =	sadd.s32 $0xFFFFFFA0, s25  }
0xbd: {  	s18 =	sand.u32 $0xFFFFFF00, s18;
	s17 =	sand.u32 $0x70, s17  }
0xbe: {  	s17 =	sor.u32 s17, s18;
	[tilespmem:$0x5020] =	vst v1  }
0xbf: {  	v1 =	vld [tilespmem:s17+$0x0];
	_ =	sdelay $0x2  }
0xc0: {  	s18 =	sadd.s32 $0x1C0, s16;
	s17 =	sadd.s32 $0xFFFFFFB0, s25  }
0xc1: {  	s18 =	sand.u32 $0xFFFFFF00, s18;
	s17 =	sand.u32 $0x70, s17  }
0xc2: {  	s17 =	sor.u32 s17, s18;
	[tilespmem:$0x5030] =	vst v1  }
0xc3: {  	v1 =	vld [tilespmem:s17+$0x0];
	_ =	sdelay $0x4  }
0xc4: {  	[tilespmem:$0x5040] =	vst v1  }
0xc5: {  	[tilespmem:s5], [sflag:$0x1] =	stream.indirect.gather [hbm4b:s1+s4], $0x80, s0, s4, $0xb8;
	[tilespmem:$0x1DE00] =	vst v63  }
0xc6: {  	s18 =	sadd.s32 $0xA0, s16;
	s17 =	sadd.s32 $0xFFFFFF20, s25;
	_ =	swait.ge [sflag:s8], $0x2800  }
0xc7: {  	s18 =	sand.u32 $0xFFFFFF00, s18;
	s17 =	sand.u32 $0x70, s17;
	[sflag:s8] =	ssyncset.done $0x0  }
0xc8: {  	s17 =	sor.u32 s17, s18;
	[sflag:s8] =	ssyncadd.s32 $0xFFFFD800  }
0xc9: {  	v1 =	vld [tilespmem:s17+$0x80];
	_ =	sdelay $0x2  }
0xca: {  	s18 =	sadd.s32 $0xC0, s16;
	s17 =	sadd.s32 $0xFFFFFF30, s25  }
0xcb: {  	s18 =	sand.u32 $0xFFFFFF00, s18;
	s17 =	sand.u32 $0x70, s17  }
0xcc: {  	s17 =	sor.u32 s17, s18;
	[tilespmem:$0x5180] =	vst v1  }
0xcd: {  	v1 =	vld [tilespmem:s17+$0x80];
	_ =	sdelay $0x2  }
0xce: {  	s18 =	sadd.s32 $0xE0, s16;
	s17 =	sadd.s32 $0xFFFFFF40, s25  }
0xcf: {  	s18 =	sand.u32 $0xFFFFFF00, s18;
	s17 =	sand.u32 $0x70, s17  }
0xd0: {  	s17 =	sor.u32 s17, s18;
	[tilespmem:$0x5190] =	vst v1  }
0xd1: {  	v1 =	vld [tilespmem:s17+$0x80];
	_ =	sdelay $0x2  }
0xd2: {  	s18 =	sadd.s32 $0x100, s16;
	s17 =	sadd.s32 $0xFFFFFF50, s25  }
0xd3: {  	s18 =	sand.u32 $0xFFFFFF00, s18;
	s17 =	sand.u32 $0x70, s17  }
0xd4: {  	s17 =	sor.u32 s17, s18;
	[tilespmem:$0x51A0] =	vst v1  }
0xd5: {  	v1 =	vld [tilespmem:s17+$0x80];
	_ =	sdelay $0x2  }
0xd6: {  	s18 =	sadd.s32 $0x120, s16;
	s17 =	sadd.s32 $0xFFFFFF60, s25  }
0xd7: {  	s18 =	sand.u32 $0xFFFFFF00, s18;
	s17 =	sand.u32 $0x70, s17  }
0xd8: {  	s17 =	sor.u32 s17, s18;
	[tilespmem:$0x51B0] =	vst v1  }
0xd9: {  	v1 =	vld [tilespmem:s17+$0x80];
	_ =	sdelay $0x3  }
0xda: {  	p0 =	seq.s32 s14, $0x4C40  }
.Ltmp3:
0xdb: {  	[tilespmem:$0x51C0] =	vst v1;
	(pc) =	sbr.rel @p0 .LBB2_6-.Ltmp3, $4  }
0xdc: {  	[spmem:s3] =	stream.indirect.scatter.add.f32 [tilespmem:s7], [sflag:$0x3], $0x80, s12, s4, $0xb8;
	[tilespmem:$0x1DE00] =	vst v63  }
0xdd: {  	_ =	swait.ge [sflag:s2], $0x2800  }
0xde: {  	[sflag:s2] =	ssyncset.done $0x0  }
0xdf: {  	[sflag:s2] =	ssyncadd.s32 $0xFFFFD800  }
0xe0: {  	s17 =	sadd.s32 $0xFFFFFFC0, s25;
	s18 =	sadd.s32 $0x1E0, s16  }
0xe1: {  	s17 =	sand.u32 $0x70, s17;
	s18 =	sand.u32 $0xFFFFFF00, s18  }
0xe2: {  	s17 =	sor.u32 s17, s18  }
0xe3: {  	v1 =	vld [tilespmem:s17+$0x0];
	_ =	sdelay $0x2  }
0xe4: {  	s18 =	sadd.s32 $0x200, s16;
	s17 =	sadd.s32 $0xFFFFFFD0, s25  }
0xe5: {  	s18 =	sand.u32 $0xFFFFFF00, s18;
	s17 =	sand.u32 $0x70, s17  }
0xe6: {  	s17 =	sor.u32 s17, s18;
	[tilespmem:$0x5080] =	vst v1  }
0xe7: {  	v1 =	vld [tilespmem:s17+$0x0];
	_ =	sdelay $0x2  }
0xe8: {  	s18 =	sadd.s32 $0x220, s16;
	s17 =	sadd.s32 $0xFFFFFFE0, s25  }
0xe9: {  	s18 =	sand.u32 $0xFFFFFF00, s18;
	s17 =	sand.u32 $0x70, s17  }
0xea: {  	s17 =	sor.u32 s17, s18;
	[tilespmem:$0x5090] =	vst v1  }
0xeb: {  	v1 =	vld [tilespmem:s17+$0x0];
	_ =	sdelay $0x2  }
0xec: {  	s18 =	sadd.s32 $0x240, s16;
	s17 =	sadd.s32 $0xFFFFFFF0, s25  }
0xed: {  	s18 =	sand.u32 $0xFFFFFF00, s18;
	s17 =	sand.u32 $0x70, s17  }
0xee: {  	s17 =	sor.u32 s17, s18;
	[tilespmem:$0x50A0] =	vst v1  }
0xef: {  	v1 =	vld [tilespmem:s17+$0x0];
	_ =	sdelay $0x2  }
0xf0: {  	s17 =	sadd.s32 $0x260, s16  }
0xf1: {  	s18 =	sand.u32 $0x70, s25;
	s16 =	sand.u32 $0xFFFFFF00, s17  }
0xf2: {  	s16 =	sor.u32 s18, s16;
	[tilespmem:$0x50B0] =	vst v1  }
0xf3: {  	v1 =	vld [tilespmem:s16+$0x0];
	_ =	sdelay $0x1  }
.Ltmp4:
0xf4: {  	_ = 	snop;
	(pc) =	sbr.rel .LBB2_4-.Ltmp4, $3  }
0xf5: {  	_ =	sdelay $0x1  }
0xf6: {  	s14 =	sadd.s32 $0x140, s14;
	s25 =	sadd.s32 $0xA0, s25;
	[tilespmem:$0x50C0] =	vst v1  }
0xf7: {  	[tilespmem:s7], [sflag:$0x2] =	stream.indirect.gather [hbm4b:s1+s4], $0x80, s9, s4, $0xb8;
	[tilespmem:$0x1DE00] =	vst v63  }
.LBB2_7:
0xf8: {  	_ =	sfence.sel $0x180000  }
0xf9: {  	[bflag:$0x0] =	sbarrier.arrive $0xFFFF  }
0xfa: {  	_ =	strace $0x90000047  }
0xfb: {  	s0 =	stileid.u32;
	[bflag:$0x2] =	sbarrier.arrive $0xFFFF  }
0xfc: {  	p0 =	sne.s32 s0, $0x0;
	s0 =	rddreg [dreg:$0x4]  }
0xfd: {  	s0 =	sadd.s32 @!p0 $0x100000, s0  }
0xfe: {  	[sflag:s0] =	ssyncadd.tile.s32 @!p0 $0x1;
	_ =	shalt  }
.Lfunc_end2:
_tile_overlayer_lowered:
.L_overlay_start_2:
0xff: {  	(tag) =	ssettag $0x2  }
0x100: {  	s0 =	rddreg [dreg:$0x0];
	s2 =	stileid.u32  }
0x101: {  	s1 =	rddreg [dreg:$0x1];
	p0 =	sne.s32 s2, $0x0  }
0x102: {  	s3 =	rddreg [dreg:$0x2];
	[bflag:$0x3] =	sbarrier.arrive $0xFFFF;
	s2 =	simm.s32 @!p0 $0x1C03  }
0x103: {  	[timem:s3], [sflag:s2] =	dma.local @!p0 [hbm:s0], s1  }
0x104: {  	s0 =	simm.s32 @!p0 $0x3  }
0x105: {  	_ =	swait.ge @!p0 [sflag:s0], s1  }
0x106: {  	s1 =	ssub.s32 @!p0 $0x0, s1;
	[sflag:s0] =	ssyncset.done @!p0 $0x0  }
0x107: {  	[sflag:s0] =	ssyncadd.s32 @!p0 s1  }
0x108: {  	[bflag:$0x3] =	sbarrier.arrive $0xFFFF  }
0x109: {  	_ =	shalt  }

</sc_bundles>
